<compile_context>
chip_gen: v7x
topology: tpu7x:2x2x1
jax: 0.10.2.dev20260603
libtpu: 0.0.44.dev20260713+nightly
codegen_flags: <defaults>
</compile_context>

<pallas_src>
import functools

import jax
import jax.numpy as jnp
from jax import lax
from jax.experimental import pallas as pl
from jax.experimental.pallas import tpu as pltpu
from jax.experimental.pallas import tpu_sc as plsc

_N = 100000
_D = 64
_OUT_ROWS = 3 * _N

_BN = 1024
_GROUPS = 196
_G_ROWS = _GROUPS * _BN

_CHUNK = 128
_CHUNKS = 49
_TILE_ROWS = _CHUNK * _CHUNKS
_SRC_SPAN = 8192

_SEAM = 97
_ALL_BLOCKS = 293
_SEAM_IP = _N - _SEAM * _BN


def _sc_gather_body(ctab, src, out, src_v, didx_v,
                    row_a, row_b, sem_a, sem_b, sem_w):
    info = plsc.get_sparse_core_info()
    nc = info.num_cores
    wid = lax.axis_index("s") * nc + lax.axis_index("c")
    base = wid * _TILE_ROWS
    origin = (base >> 10) << 10
    origin = pl.multiple_of(origin, _BN)

    pltpu.sync_copy(src.at[pl.ds(origin, _SRC_SPAN)], src_v)

    bufs = (row_a, row_b)
    sems = (sem_a, sem_b)
    lanes = lax.iota(jnp.int32, 16)

    def start(chunk, b):
        r0 = base + chunk * _CHUNK
        la = ((r0 >> 10) << 10) + 64 * ((r0 >> 7) & 7) - origin
        la = pl.multiple_of(la, 64)
        pltpu.async_copy(ctab.at[src_v.at[pl.ds(la, 64)]],
                         bufs[b].at[pl.ds(0, 64)], sems[b])
        pltpu.async_copy(ctab.at[src_v.at[pl.ds(la + _BN // 2, 64)]],
                         bufs[b].at[pl.ds(64, 64)], sems[b])

    def drain(b):
        pltpu.make_async_copy(ctab.at[pl.ds(0, _CHUNK)],
                              bufs[b], sems[b]).wait()

    def write(chunk, b):
        r0 = base + chunk * _CHUNK
        for v in range(_CHUNK // 16):
            pos = lanes + 16 * v
            didx_v[pl.ds(16 * v, 16)] = jnp.where(
                pos < 64, r0 + 2 * pos, r0 + 2 * (pos - 64) + 1)
        pltpu.async_copy(bufs[b], out.at[didx_v], sem_w).wait()

    start(0, 0)
    start(1, 1)

    def step(j, carry):
        for b in range(2):
            drain(b)
            write(j + b, b)

            @pl.when(j + b + 2 < _CHUNKS)
            def _start_next(b=b, j=j):
                start(j + b + 2, b)
        return carry

    lax.fori_loop(0, _CHUNKS // 2, lambda j, c: step(2 * j, c), 0)
    drain(0)
    write(_CHUNKS - 1, 0)


def _sc_gather(ctab, idx):
    mesh = plsc.VectorSubcoreMesh(core_axis_name="c", subcore_axis_name="s")
    fn = functools.partial(
        pl.kernel,
        mesh=mesh,
        compiler_params=pltpu.CompilerParams(use_tc_tiling_on_sc=False),
        out_type=jax.ShapeDtypeStruct((_G_ROWS, _D), jnp.float32),
        scratch_types=[
            pltpu.VMEM((_SRC_SPAN,), jnp.int32),
            pltpu.VMEM((_CHUNK,), jnp.int32),
            pltpu.VMEM((_CHUNK, _D), jnp.float32),
            pltpu.VMEM((_CHUNK, _D), jnp.float32),
            pltpu.SemaphoreType.DMA,
            pltpu.SemaphoreType.DMA,
            pltpu.SemaphoreType.DMA,
        ],
    )(_sc_gather_body)
    return fn(ctab, idx)


def _mm_body(ipt_ref, wt_ref, bt_ref, o_ref):
    o_ref[...] = jnp.dot(wt_ref[...], ipt_ref[...],
                         preferred_element_type=jnp.float32) + bt_ref[...]


def _mm_kernel(ipt, wt, bt):
    return pl.pallas_call(
        _mm_body,
        grid=(_SEAM + 1,),
        in_specs=[
            pl.BlockSpec((32, _BN), lambda i: (0, i)),
            pl.BlockSpec((_D, 32), lambda i: (0, 0)),
            pl.BlockSpec((_D, 1), lambda i: (0, 0)),
        ],
        out_specs=pl.BlockSpec((_D, _BN), lambda i: (0, i)),
        out_shape=jax.ShapeDtypeStruct((_D, _OUT_ROWS), jnp.float32),
        compiler_params=pltpu.CompilerParams(
            dimension_semantics=("arbitrary",),
        ),
    )(ipt, wt, bt)


def _tr_body(z_ref, g2_ref, o_ref):
    j = pl.program_id(0)
    t = jnp.transpose(g2_ref[...])

    @pl.when(j == 0)
    def _seam():
        lane = lax.broadcasted_iota(jnp.int32, (_D, _BN), 1)
        tcat = jnp.concatenate([t[0:_D, :], t[_D:128, :]], axis=1)
        o_ref[...] = jnp.where(lane < _SEAM_IP, z_ref[...], tcat)

    @pl.when(j > 0)
    def _full():
        o_ref[:, 0:_BN // 2] = t[0:_D, :]
        o_ref[:, _BN // 2:_BN] = t[_D:128, :]


def _tr_kernel(z, g2):
    return pl.pallas_call(
        _tr_body,
        grid=(_ALL_BLOCKS - _SEAM,),
        in_specs=[
            pl.BlockSpec((_D, _BN), lambda j: (0, _SEAM)),
            pl.BlockSpec((_BN // 2, 128), lambda j: (j, 0)),
        ],
        out_specs=pl.BlockSpec((_D, _BN), lambda j: (0, j + _SEAM)),
        out_shape=jax.ShapeDtypeStruct((_D, _OUT_ROWS), jnp.float32),
        input_output_aliases={0: 0},
        compiler_params=pltpu.CompilerParams(
            dimension_semantics=("arbitrary",),
        ),
    )(z, g2)


def kernel(ip_feats, port_idx, tech_idx, W_ip, b_ip, port_table, tech_table):
    ctab = jnp.concatenate([port_table, tech_table], axis=0)
    head = jnp.zeros((_SEAM_IP,), jnp.int32)
    tail = jnp.zeros((_SEAM * _BN + _G_ROWS - 3 * _N + _BN,), jnp.int32)
    src = jnp.concatenate([head, port_idx.astype(jnp.int32),
                           tech_idx.astype(jnp.int32) + 65536, tail])
    g = _sc_gather(ctab, src)
    g2 = g.reshape(_G_ROWS // 2, 128)
    z = _mm_kernel(ip_feats.T, W_ip.T, b_ip.reshape(_D, 1))
    out_t = _tr_kernel(z, g2)
    return out_t.T

# --- scband reference (transcript-rebuilt; emitter-appended) ---
"""Pipeline reference for scband-hetero-log-encoder-10995116278245 (READ-ONLY COPY).

The authoritative reference and input builder live on the scoring server;
editing this copy changes nothing except your own understanding.
"""

import jax, jax.numpy as jnp
import numpy as np

NODE_EMBED_DIM = 64
N = 100000

def setup_inputs(seed: int = 0) -> dict:
    key = jax.random.key(seed)
    k1, k2, k3, k4, k5, k6, k7 = jax.random.split(key, 7)
    ip_feats = jax.random.normal(k1, (N, 32), dtype=jnp.float32)
    port_idx = jax.random.randint(k2, (N,), 0, 65536)
    tech_idx = jax.random.randint(k3, (N,), 0, 1000)
    W_ip = jax.random.normal(k4, (32, NODE_EMBED_DIM), dtype=jnp.float32) * (1.0 / np.sqrt(32.0))
    b_ip = jnp.zeros((NODE_EMBED_DIM,), dtype=jnp.float32)
    port_table = jax.random.normal(k5, (65536, NODE_EMBED_DIM), dtype=jnp.float32)
    tech_table = jax.random.normal(k6, (1000, NODE_EMBED_DIM), dtype=jnp.float32)
    return {"ip_feats": ip_feats, "port_idx": port_idx, "tech_idx": tech_idx,
            "W_ip": W_ip, "b_ip": b_ip, "port_table": port_table, "tech_table": tech_table}

def reference(ip_feats, port_idx, tech_idx, W_ip, b_ip, port_table, tech_table):
    # ip node features: Linear(32 -> d) on 32-bit IP feature vectors
    ip_x = ip_feats @ W_ip + b_ip
    # port node features: embedding lookup into 65536-row table
    port_x = jnp.take(port_table, port_idx, axis=0)
    # technique node features: embedding lookup into 1000-row table
    tech_x = jnp.take(tech_table, tech_idx, axis=0)
    # concatenate heterogeneous node feature matrices (all dim = node_embed_dim)
    return jnp.concatenate([ip_x, port_x, tech_x], axis=0)

if __name__ == "__main__":
    import jax
    _d = setup_inputs()
    print(jax.jit(kernel)(*tuple(_d.values())))

</pallas_src>

<mosaic_0001>
#map = affine_map<(d0, d1) -> (0, 0)>
#map1 = affine_map<(d0, d1) -> (0)>
module attributes {stable_mosaic.version = 14 : i64} {
  func.func @_sc_gather_body(%arg0: i32, %arg1: i32, %arg2: memref<66536x64xf32, #tpu.memory_space<hbm>>, %arg3: memref<201728xi32, #tpu.memory_space<hbm>>, %arg4: memref<200704x64xf32, #tpu.memory_space<hbm>>, %arg5: memref<8192xi32, #tpu.memory_space<vmem>>, %arg6: memref<128xi32, #tpu.memory_space<vmem>>, %arg7: memref<128x64xf32, #tpu.memory_space<vmem>>, %arg8: memref<128x64xf32, #tpu.memory_space<vmem>>, %arg9: memref<!tpu.dma_semaphore, #tpu.memory_space<semaphore_mem>>, %arg10: memref<!tpu.dma_semaphore, #tpu.memory_space<semaphore_mem>>, %arg11: memref<!tpu.dma_semaphore, #tpu.memory_space<semaphore_mem>>) attributes {dimension_semantics = [#tpu.dimension_semantics<core_parallel>, #tpu.dimension_semantics<subcore_parallel>], iteration_bounds = array<i64: 2, 16>, scalar_prefetch = 0 : i64, scratch_operands = 7 : i64, tpu.core_type = #tpu.core_type<sc_vector_subcore>, window_params = [{transform_indices = #map}, {transform_indices = #map1}, {transform_indices = #map}]} {
    %mul3A = arith.constant 2 : i32
    %mul3A_0 = arith.muli %arg1, %mul3A : i32
    %add3A = arith.addi %mul3A_0, %arg0 : i32
    %mul3A_1 = arith.constant 6272 : i32
    %mul3A_2 = arith.muli %add3A, %mul3A_1 : i32
    %shift_right_arithmetic3A = arith.constant 10 : i32
    %shift_right_arithmetic3A_3 = arith.shrsi %mul3A_2, %shift_right_arithmetic3A : i32
    %shift_left3A = arith.constant 10 : i32
    %shift_left3A_4 = arith.shli %shift_right_arithmetic3A_3, %shift_left3A : i32
    %multiple_of3A = tpu.assume_multiple %shift_left3A_4, 1024 : i32
    "tpu.region"() ({
      %run_scoped3A = tpu.sem_alloc : memref<!tpu.dma_semaphore, #tpu.memory_space<semaphore_mem>>
      %dma_start3A_295 = tpu.memref_slice %arg3[%multiple_of3A] : memref<201728xi32, #tpu.memory_space<hbm>> -> memref<8192xi32, #tpu.memory_space<hbm>>
      %dma_start3A_296 = tpu.memref_slice %arg3[%multiple_of3A] : memref<201728xi32, #tpu.memory_space<hbm>> -> memref<8192xi32, #tpu.memory_space<hbm>>
      tpu.enqueue_dma source(%dma_start3A_296 : memref<8192xi32, #tpu.memory_space<hbm>>) target(%arg5 : memref<8192xi32, #tpu.memory_space<vmem>>) target_semaphore(%run_scoped3A : memref<!tpu.dma_semaphore, #tpu.memory_space<semaphore_mem>>)
      %dma_wait3A_297 = tpu.memref_slice %arg3[%multiple_of3A] : memref<201728xi32, #tpu.memory_space<hbm>> -> memref<8192xi32, #tpu.memory_space<hbm>>
      %dma_wait3A_298 = tpu.memref_slice %arg3[%multiple_of3A] : memref<201728xi32, #tpu.memory_space<hbm>> -> memref<8192xi32, #tpu.memory_space<hbm>>
      tpu.wait_dma2 semaphore(%run_scoped3A : memref<!tpu.dma_semaphore, #tpu.memory_space<semaphore_mem>>) src(%dma_wait3A_298 : memref<8192xi32, #tpu.memory_space<hbm>>) dst(%arg5 : memref<8192xi32, #tpu.memory_space<vmem>>)
      tpu.yield
    }) : () -> ()
    %iota3A = tpu.iota {dimensions = array<i32: 0>} : vector<16xi32>
    %add3A_5 = arith.constant 0 : i32
    %add3A_6 = arith.addi %mul3A_2, %add3A_5 : i32
    %shift_right_arithmetic3A_7 = arith.constant 10 : i32
    %shift_right_arithmetic3A_8 = arith.shrsi %add3A_6, %shift_right_arithmetic3A_7 : i32
    %shift_left3A_9 = arith.constant 10 : i32
    %shift_left3A_10 = arith.shli %shift_right_arithmetic3A_8, %shift_left3A_9 : i32
    %shift_right_arithmetic3A_11 = arith.constant 7 : i32
    %shift_right_arithmetic3A_12 = arith.shrsi %add3A_6, %shift_right_arithmetic3A_11 : i32
    %and3A = arith.constant 7 : i32
    %and3A_13 = arith.andi %shift_right_arithmetic3A_12, %and3A : i32
    %mul3A_14 = arith.constant 64 : i32
    %mul3A_15 = arith.muli %mul3A_14, %and3A_13 : i32
    %add3A_16 = arith.addi %shift_left3A_10, %mul3A_15 : i32
    %sub3A = arith.subi %add3A_16, %multiple_of3A : i32
    %multiple_of3A_17 = tpu.assume_multiple %sub3A, 64 : i32
    %dma_start3A = arith.constant 0 : i32
    %dma_start3A_18 = arith.constant 0 : i32
    %dma_start3A_19 = tpu.memref_slice %arg7[%dma_start3A, %dma_start3A_18] : memref<128x64xf32, #tpu.memory_space<vmem>> -> memref<64x64xf32, #tpu.memory_space<vmem>>
    %dma_start3A_20 = tpu.memref_slice %arg5[%multiple_of3A_17] : memref<8192xi32, #tpu.memory_space<vmem>> -> memref<64xi32, #tpu.memory_space<vmem>>
    %dma_start3A_21 = arith.constant 0 : i32
    %dma_start3A_22 = arith.constant 0 : i32
    %dma_start3A_23 = tpu.memref_slice %arg2[%dma_start3A_21, %dma_start3A_22] : memref<66536x64xf32, #tpu.memory_space<hbm>> -> memref<66536x64xf32, #tpu.memory_space<hbm>>
    tpu.enqueue_indirect_dma source(%dma_start3A_23 : memref<66536x64xf32, #tpu.memory_space<hbm>>) target(%dma_start3A_19 : memref<64x64xf32, #tpu.memory_space<vmem>>) offsets(%dma_start3A_20 : memref<64xi32, #tpu.memory_space<vmem>>) semaphore(%arg9 : memref<!tpu.dma_semaphore, #tpu.memory_space<semaphore_mem>>)
    %add3A_24 = arith.constant 512 : i32
    %add3A_25 = arith.addi %multiple_of3A_17, %add3A_24 : i32
    %dma_start3A_26 = arith.constant 64 : i32
    %dma_start3A_27 = arith.constant 0 : i32
    %dma_start3A_28 = tpu.memref_slice %arg7[%dma_start3A_26, %dma_start3A_27] : memref<128x64xf32, #tpu.memory_space<vmem>> -> memref<64x64xf32, #tpu.memory_space<vmem>>
    %dma_start3A_29 = tpu.memref_slice %arg5[%add3A_25] : memref<8192xi32, #tpu.memory_space<vmem>> -> memref<64xi32, #tpu.memory_space<vmem>>
    %dma_start3A_30 = arith.constant 0 : i32
    %dma_start3A_31 = arith.constant 0 : i32
    %dma_start3A_32 = tpu.memref_slice %arg2[%dma_start3A_30, %dma_start3A_31] : memref<66536x64xf32, #tpu.memory_space<hbm>> -> memref<66536x64xf32, #tpu.memory_space<hbm>>
    tpu.enqueue_indirect_dma source(%dma_start3A_32 : memref<66536x64xf32, #tpu.memory_space<hbm>>) target(%dma_start3A_28 : memref<64x64xf32, #tpu.memory_space<vmem>>) offsets(%dma_start3A_29 : memref<64xi32, #tpu.memory_space<vmem>>) semaphore(%arg9 : memref<!tpu.dma_semaphore, #tpu.memory_space<semaphore_mem>>)
    %add3A_33 = arith.constant 128 : i32
    %add3A_34 = arith.addi %mul3A_2, %add3A_33 : i32
    %shift_right_arithmetic3A_35 = arith.constant 10 : i32
    %shift_right_arithmetic3A_36 = arith.shrsi %add3A_34, %shift_right_arithmetic3A_35 : i32
    %shift_left3A_37 = arith.constant 10 : i32
    %shift_left3A_38 = arith.shli %shift_right_arithmetic3A_36, %shift_left3A_37 : i32
    %shift_right_arithmetic3A_39 = arith.constant 7 : i32
    %shift_right_arithmetic3A_40 = arith.shrsi %add3A_34, %shift_right_arithmetic3A_39 : i32
    %and3A_41 = arith.constant 7 : i32
    %and3A_42 = arith.andi %shift_right_arithmetic3A_40, %and3A_41 : i32
    %mul3A_43 = arith.constant 64 : i32
    %mul3A_44 = arith.muli %mul3A_43, %and3A_42 : i32
    %add3A_45 = arith.addi %shift_left3A_38, %mul3A_44 : i32
    %sub3A_46 = arith.subi %add3A_45, %multiple_of3A : i32
    %multiple_of3A_47 = tpu.assume_multiple %sub3A_46, 64 : i32
    %dma_start3A_48 = arith.constant 0 : i32
    %dma_start3A_49 = arith.constant 0 : i32
    %dma_start3A_50 = tpu.memref_slice %arg8[%dma_start3A_48, %dma_start3A_49] : memref<128x64xf32, #tpu.memory_space<vmem>> -> memref<64x64xf32, #tpu.memory_space<vmem>>
    %dma_start3A_51 = tpu.memref_slice %arg5[%multiple_of3A_47] : memref<8192xi32, #tpu.memory_space<vmem>> -> memref<64xi32, #tpu.memory_space<vmem>>
    %dma_start3A_52 = arith.constant 0 : i32
    %dma_start3A_53 = arith.constant 0 : i32
    %dma_start3A_54 = tpu.memref_slice %arg2[%dma_start3A_52, %dma_start3A_53] : memref<66536x64xf32, #tpu.memory_space<hbm>> -> memref<66536x64xf32, #tpu.memory_space<hbm>>
    tpu.enqueue_indirect_dma source(%dma_start3A_54 : memref<66536x64xf32, #tpu.memory_space<hbm>>) target(%dma_start3A_50 : memref<64x64xf32, #tpu.memory_space<vmem>>) offsets(%dma_start3A_51 : memref<64xi32, #tpu.memory_space<vmem>>) semaphore(%arg10 : memref<!tpu.dma_semaphore, #tpu.memory_space<semaphore_mem>>)
    %add3A_55 = arith.constant 512 : i32
    %add3A_56 = arith.addi %multiple_of3A_47, %add3A_55 : i32
    %dma_start3A_57 = arith.constant 64 : i32
    %dma_start3A_58 = arith.constant 0 : i32
    %dma_start3A_59 = tpu.memref_slice %arg8[%dma_start3A_57, %dma_start3A_58] : memref<128x64xf32, #tpu.memory_space<vmem>> -> memref<64x64xf32, #tpu.memory_space<vmem>>
    %dma_start3A_60 = tpu.memref_slice %arg5[%add3A_56] : memref<8192xi32, #tpu.memory_space<vmem>> -> memref<64xi32, #tpu.memory_space<vmem>>
    %dma_start3A_61 = arith.constant 0 : i32
    %dma_start3A_62 = arith.constant 0 : i32
    %dma_start3A_63 = tpu.memref_slice %arg2[%dma_start3A_61, %dma_start3A_62] : memref<66536x64xf32, #tpu.memory_space<hbm>> -> memref<66536x64xf32, #tpu.memory_space<hbm>>
    tpu.enqueue_indirect_dma source(%dma_start3A_63 : memref<66536x64xf32, #tpu.memory_space<hbm>>) target(%dma_start3A_59 : memref<64x64xf32, #tpu.memory_space<vmem>>) offsets(%dma_start3A_60 : memref<64xi32, #tpu.memory_space<vmem>>) semaphore(%arg10 : memref<!tpu.dma_semaphore, #tpu.memory_space<semaphore_mem>>)
    %scan3A = arith.constant 0 : i32
    %scan3A_64 = arith.constant 0 : i32
    %scan3A_65 = arith.constant 24 : i32
    %scan3A_66 = arith.addi %scan3A_64, %scan3A_65 : i32
    %scan3A_67 = arith.constant 1 : i32
    scf.for %scan3A_295 = %scan3A_64 to %scan3A_66 step %scan3A_67  : i32 {
      %mul3A_296 = arith.constant 2 : i32
      %mul3A_297 = arith.muli %mul3A_296, %scan3A_295 : i32
      %dma_wait3A_298 = arith.constant 0 : i32
      %dma_wait3A_299 = arith.constant 0 : i32
      %dma_wait3A_300 = tpu.memref_slice %arg2[%dma_wait3A_298, %dma_wait3A_299] : memref<66536x64xf32, #tpu.memory_space<hbm>> -> memref<128x64xf32, #tpu.memory_space<hbm>>
      %dma_wait3A_301 = arith.constant 0 : i32
      %dma_wait3A_302 = arith.constant 0 : i32
      %dma_wait3A_303 = tpu.memref_slice %arg2[%dma_wait3A_301, %dma_wait3A_302] : memref<66536x64xf32, #tpu.memory_space<hbm>> -> memref<128x64xf32, #tpu.memory_space<hbm>>
      tpu.wait_dma2 semaphore(%arg9 : memref<!tpu.dma_semaphore, #tpu.memory_space<semaphore_mem>>) src(%dma_wait3A_303 : memref<128x64xf32, #tpu.memory_space<hbm>>) dst(%arg7 : memref<128x64xf32, #tpu.memory_space<vmem>>)
      %add3A_304 = arith.constant 0 : i32
      %add3A_305 = arith.addi %mul3A_297, %add3A_304 : i32
      %mul3A_306 = arith.constant 128 : i32
      %mul3A_307 = arith.muli %add3A_305, %mul3A_306 : i32
      %add3A_308 = arith.addi %mul3A_2, %mul3A_307 : i32
      %add3A_309 = arith.constant 0 : i32
      %add3A_310 = vector.broadcast %add3A_309 : i32 to vector<16xi32>
      %add3A_311 = arith.addi %iota3A, %add3A_310 : vector<16xi32>
      %lt3A_312 = arith.constant 64 : i32
      %lt3A_313 = vector.broadcast %lt3A_312 : i32 to vector<16xi32>
      %lt3A_314 = arith.cmpi slt, %add3A_311, %lt3A_313 : vector<16xi32>
      %mul3A_315 = arith.constant 2 : i32
      %mul3A_316 = vector.broadcast %mul3A_315 : i32 to vector<16xi32>
      %mul3A_317 = arith.muli %mul3A_316, %add3A_311 : vector<16xi32>
      %add3A_318 = vector.broadcast %add3A_308 : i32 to vector<16xi32>
      %add3A_319 = arith.addi %add3A_318, %mul3A_317 : vector<16xi32>
      %sub3A_320 = arith.constant 64 : i32
      %sub3A_321 = vector.broadcast %sub3A_320 : i32 to vector<16xi32>
      %sub3A_322 = arith.subi %add3A_311, %sub3A_321 : vector<16xi32>
      %mul3A_323 = arith.constant 2 : i32
      %mul3A_324 = vector.broadcast %mul3A_323 : i32 to vector<16xi32>
      %mul3A_325 = arith.muli %mul3A_324, %sub3A_322 : vector<16xi32>
      %add3A_326 = vector.broadcast %add3A_308 : i32 to vector<16xi32>
      %add3A_327 = arith.addi %add3A_326, %mul3A_325 : vector<16xi32>
      %add3A_328 = arith.constant 1 : i32
      %add3A_329 = vector.broadcast %add3A_328 : i32 to vector<16xi32>
      %add3A_330 = arith.addi %add3A_327, %add3A_329 : vector<16xi32>
      %select_n3A_331 = arith.select %lt3A_314, %add3A_319, %add3A_330 : vector<16xi1>, vector<16xi32>
      %swap3A_332 = arith.constant 0 : index
      %swap3A_333 = tpu.vector_load %arg6[%swap3A_332] {strides = array<i32>} : memref<128xi32, #tpu.memory_space<vmem>>, vector<16xi32>,
      %swap3A_334 = vector.shape_cast %swap3A_333 : vector<16xi32> to vector<16xi32>
      %swap3A_335 = vector.shape_cast %select_n3A_331 : vector<16xi32> to vector<16xi32>
      tpu.vector_store %arg6[%swap3A_332], %swap3A_335 {strides = array<i32>} : memref<128xi32, #tpu.memory_space<vmem>>, vector<16xi32>,
      %add3A_336 = arith.constant 16 : i32
      %add3A_337 = vector.broadcast %add3A_336 : i32 to vector<16xi32>
      %add3A_338 = arith.addi %iota3A, %add3A_337 : vector<16xi32>
      %lt3A_339 = arith.constant 64 : i32
      %lt3A_340 = vector.broadcast %lt3A_339 : i32 to vector<16xi32>
      %lt3A_341 = arith.cmpi slt, %add3A_338, %lt3A_340 : vector<16xi32>
      %mul3A_342 = arith.constant 2 : i32
      %mul3A_343 = vector.broadcast %mul3A_342 : i32 to vector<16xi32>
      %mul3A_344 = arith.muli %mul3A_343, %add3A_338 : vector<16xi32>
      %add3A_345 = vector.broadcast %add3A_308 : i32 to vector<16xi32>
      %add3A_346 = arith.addi %add3A_345, %mul3A_344 : vector<16xi32>
      %sub3A_347 = arith.constant 64 : i32
      %sub3A_348 = vector.broadcast %sub3A_347 : i32 to vector<16xi32>
      %sub3A_349 = arith.subi %add3A_338, %sub3A_348 : vector<16xi32>
      %mul3A_350 = arith.constant 2 : i32
      %mul3A_351 = vector.broadcast %mul3A_350 : i32 to vector<16xi32>
      %mul3A_352 = arith.muli %mul3A_351, %sub3A_349 : vector<16xi32>
      %add3A_353 = vector.broadcast %add3A_308 : i32 to vector<16xi32>
      %add3A_354 = arith.addi %add3A_353, %mul3A_352 : vector<16xi32>
      %add3A_355 = arith.constant 1 : i32
      %add3A_356 = vector.broadcast %add3A_355 : i32 to vector<16xi32>
      %add3A_357 = arith.addi %add3A_354, %add3A_356 : vector<16xi32>
      %select_n3A_358 = arith.select %lt3A_341, %add3A_346, %add3A_357 : vector<16xi1>, vector<16xi32>
      %swap3A_359 = arith.constant 16 : index
      %swap3A_360 = tpu.vector_load %arg6[%swap3A_359] {strides = array<i32>} : memref<128xi32, #tpu.memory_space<vmem>>, vector<16xi32>,
      %swap3A_361 = vector.shape_cast %swap3A_360 : vector<16xi32> to vector<16xi32>
      %swap3A_362 = vector.shape_cast %select_n3A_358 : vector<16xi32> to vector<16xi32>
      tpu.vector_store %arg6[%swap3A_359], %swap3A_362 {strides = array<i32>} : memref<128xi32, #tpu.memory_space<vmem>>, vector<16xi32>,
      %add3A_363 = arith.constant 32 : i32
      %add3A_364 = vector.broadcast %add3A_363 : i32 to vector<16xi32>
      %add3A_365 = arith.addi %iota3A, %add3A_364 : vector<16xi32>
      %lt3A_366 = arith.constant 64 : i32
      %lt3A_367 = vector.broadcast %lt3A_366 : i32 to vector<16xi32>
      %lt3A_368 = arith.cmpi slt, %add3A_365, %lt3A_367 : vector<16xi32>
      %mul3A_369 = arith.constant 2 : i32
      %mul3A_370 = vector.broadcast %mul3A_369 : i32 to vector<16xi32>
      %mul3A_371 = arith.muli %mul3A_370, %add3A_365 : vector<16xi32>
      %add3A_372 = vector.broadcast %add3A_308 : i32 to vector<16xi32>
      %add3A_373 = arith.addi %add3A_372, %mul3A_371 : vector<16xi32>
      %sub3A_374 = arith.constant 64 : i32
      %sub3A_375 = vector.broadcast %sub3A_374 : i32 to vector<16xi32>
      %sub3A_376 = arith.subi %add3A_365, %sub3A_375 : vector<16xi32>
      %mul3A_377 = arith.constant 2 : i32
      %mul3A_378 = vector.broadcast %mul3A_377 : i32 to vector<16xi32>
      %mul3A_379 = arith.muli %mul3A_378, %sub3A_376 : vector<16xi32>
      %add3A_380 = vector.broadcast %add3A_308 : i32 to vector<16xi32>
      %add3A_381 = arith.addi %add3A_380, %mul3A_379 : vector<16xi32>
      %add3A_382 = arith.constant 1 : i32
      %add3A_383 = vector.broadcast %add3A_382 : i32 to vector<16xi32>
      %add3A_384 = arith.addi %add3A_381, %add3A_383 : vector<16xi32>
      %select_n3A_385 = arith.select %lt3A_368, %add3A_373, %add3A_384 : vector<16xi1>, vector<16xi32>
      %swap3A_386 = arith.constant 32 : index
      %swap3A_387 = tpu.vector_load %arg6[%swap3A_386] {strides = array<i32>} : memref<128xi32, #tpu.memory_space<vmem>>, vector<16xi32>,
      %swap3A_388 = vector.shape_cast %swap3A_387 : vector<16xi32> to vector<16xi32>
      %swap3A_389 = vector.shape_cast %select_n3A_385 : vector<16xi32> to vector<16xi32>
      tpu.vector_store %arg6[%swap3A_386], %swap3A_389 {strides = array<i32>} : memref<128xi32, #tpu.memory_space<vmem>>, vector<16xi32>,
      %add3A_390 = arith.constant 48 : i32
      %add3A_391 = vector.broadcast %add3A_390 : i32 to vector<16xi32>
      %add3A_392 = arith.addi %iota3A, %add3A_391 : vector<16xi32>
      %lt3A_393 = arith.constant 64 : i32
      %lt3A_394 = vector.broadcast %lt3A_393 : i32 to vector<16xi32>
      %lt3A_395 = arith.cmpi slt, %add3A_392, %lt3A_394 : vector<16xi32>
      %mul3A_396 = arith.constant 2 : i32
      %mul3A_397 = vector.broadcast %mul3A_396 : i32 to vector<16xi32>
      %mul3A_398 = arith.muli %mul3A_397, %add3A_392 : vector<16xi32>
      %add3A_399 = vector.broadcast %add3A_308 : i32 to vector<16xi32>
      %add3A_400 = arith.addi %add3A_399, %mul3A_398 : vector<16xi32>
      %sub3A_401 = arith.constant 64 : i32
      %sub3A_402 = vector.broadcast %sub3A_401 : i32 to vector<16xi32>
      %sub3A_403 = arith.subi %add3A_392, %sub3A_402 : vector<16xi32>
      %mul3A_404 = arith.constant 2 : i32
      %mul3A_405 = vector.broadcast %mul3A_404 : i32 to vector<16xi32>
      %mul3A_406 = arith.muli %mul3A_405, %sub3A_403 : vector<16xi32>
      %add3A_407 = vector.broadcast %add3A_308 : i32 to vector<16xi32>
      %add3A_408 = arith.addi %add3A_407, %mul3A_406 : vector<16xi32>
      %add3A_409 = arith.constant 1 : i32
      %add3A_410 = vector.broadcast %add3A_409 : i32 to vector<16xi32>
      %add3A_411 = arith.addi %add3A_408, %add3A_410 : vector<16xi32>
      %select_n3A_412 = arith.select %lt3A_395, %add3A_400, %add3A_411 : vector<16xi1>, vector<16xi32>
      %swap3A_413 = arith.constant 48 : index
      %swap3A_414 = tpu.vector_load %arg6[%swap3A_413] {strides = array<i32>} : memref<128xi32, #tpu.memory_space<vmem>>, vector<16xi32>,
      %swap3A_415 = vector.shape_cast %swap3A_414 : vector<16xi32> to vector<16xi32>
      %swap3A_416 = vector.shape_cast %select_n3A_412 : vector<16xi32> to vector<16xi32>
      tpu.vector_store %arg6[%swap3A_413], %swap3A_416 {strides = array<i32>} : memref<128xi32, #tpu.memory_space<vmem>>, vector<16xi32>,
      %add3A_417 = arith.constant 64 : i32
      %add3A_418 = vector.broadcast %add3A_417 : i32 to vector<16xi32>
      %add3A_419 = arith.addi %iota3A, %add3A_418 : vector<16xi32>
      %lt3A_420 = arith.constant 64 : i32
      %lt3A_421 = vector.broadcast %lt3A_420 : i32 to vector<16xi32>
      %lt3A_422 = arith.cmpi slt, %add3A_419, %lt3A_421 : vector<16xi32>
      %mul3A_423 = arith.constant 2 : i32
      %mul3A_424 = vector.broadcast %mul3A_423 : i32 to vector<16xi32>
      %mul3A_425 = arith.muli %mul3A_424, %add3A_419 : vector<16xi32>
      %add3A_426 = vector.broadcast %add3A_308 : i32 to vector<16xi32>
      %add3A_427 = arith.addi %add3A_426, %mul3A_425 : vector<16xi32>
      %sub3A_428 = arith.constant 64 : i32
      %sub3A_429 = vector.broadcast %sub3A_428 : i32 to vector<16xi32>
      %sub3A_430 = arith.subi %add3A_419, %sub3A_429 : vector<16xi32>
      %mul3A_431 = arith.constant 2 : i32
      %mul3A_432 = vector.broadcast %mul3A_431 : i32 to vector<16xi32>
      %mul3A_433 = arith.muli %mul3A_432, %sub3A_430 : vector<16xi32>
      %add3A_434 = vector.broadcast %add3A_308 : i32 to vector<16xi32>
      %add3A_435 = arith.addi %add3A_434, %mul3A_433 : vector<16xi32>
      %add3A_436 = arith.constant 1 : i32
      %add3A_437 = vector.broadcast %add3A_436 : i32 to vector<16xi32>
      %add3A_438 = arith.addi %add3A_435, %add3A_437 : vector<16xi32>
      %select_n3A_439 = arith.select %lt3A_422, %add3A_427, %add3A_438 : vector<16xi1>, vector<16xi32>
      %swap3A_440 = arith.constant 64 : index
      %swap3A_441 = tpu.vector_load %arg6[%swap3A_440] {strides = array<i32>} : memref<128xi32, #tpu.memory_space<vmem>>, vector<16xi32>,
      %swap3A_442 = vector.shape_cast %swap3A_441 : vector<16xi32> to vector<16xi32>
      %swap3A_443 = vector.shape_cast %select_n3A_439 : vector<16xi32> to vector<16xi32>
      tpu.vector_store %arg6[%swap3A_440], %swap3A_443 {strides = array<i32>} : memref<128xi32, #tpu.memory_space<vmem>>, vector<16xi32>,
      %add3A_444 = arith.constant 80 : i32
      %add3A_445 = vector.broadcast %add3A_444 : i32 to vector<16xi32>
      %add3A_446 = arith.addi %iota3A, %add3A_445 : vector<16xi32>
      %lt3A_447 = arith.constant 64 : i32
      %lt3A_448 = vector.broadcast %lt3A_447 : i32 to vector<16xi32>
      %lt3A_449 = arith.cmpi slt, %add3A_446, %lt3A_448 : vector<16xi32>
      %mul3A_450 = arith.constant 2 : i32
      %mul3A_451 = vector.broadcast %mul3A_450 : i32 to vector<16xi32>
      %mul3A_452 = arith.muli %mul3A_451, %add3A_446 : vector<16xi32>
      %add3A_453 = vector.broadcast %add3A_308 : i32 to vector<16xi32>
      %add3A_454 = arith.addi %add3A_453, %mul3A_452 : vector<16xi32>
      %sub3A_455 = arith.constant 64 : i32
      %sub3A_456 = vector.broadcast %sub3A_455 : i32 to vector<16xi32>
      %sub3A_457 = arith.subi %add3A_446, %sub3A_456 : vector<16xi32>
      %mul3A_458 = arith.constant 2 : i32
      %mul3A_459 = vector.broadcast %mul3A_458 : i32 to vector<16xi32>
      %mul3A_460 = arith.muli %mul3A_459, %sub3A_457 : vector<16xi32>
      %add3A_461 = vector.broadcast %add3A_308 : i32 to vector<16xi32>
      %add3A_462 = arith.addi %add3A_461, %mul3A_460 : vector<16xi32>
      %add3A_463 = arith.constant 1 : i32
      %add3A_464 = vector.broadcast %add3A_463 : i32 to vector<16xi32>
      %add3A_465 = arith.addi %add3A_462, %add3A_464 : vector<16xi32>
      %select_n3A_466 = arith.select %lt3A_449, %add3A_454, %add3A_465 : vector<16xi1>, vector<16xi32>
      %swap3A_467 = arith.constant 80 : index
      %swap3A_468 = tpu.vector_load %arg6[%swap3A_467] {strides = array<i32>} : memref<128xi32, #tpu.memory_space<vmem>>, vector<16xi32>,
      %swap3A_469 = vector.shape_cast %swap3A_468 : vector<16xi32> to vector<16xi32>
      %swap3A_470 = vector.shape_cast %select_n3A_466 : vector<16xi32> to vector<16xi32>
      tpu.vector_store %arg6[%swap3A_467], %swap3A_470 {strides = array<i32>} : memref<128xi32, #tpu.memory_space<vmem>>, vector<16xi32>,
      %add3A_471 = arith.constant 96 : i32
      %add3A_472 = vector.broadcast %add3A_471 : i32 to vector<16xi32>
      %add3A_473 = arith.addi %iota3A, %add3A_472 : vector<16xi32>
      %lt3A_474 = arith.constant 64 : i32
      %lt3A_475 = vector.broadcast %lt3A_474 : i32 to vector<16xi32>
      %lt3A_476 = arith.cmpi slt, %add3A_473, %lt3A_475 : vector<16xi32>
      %mul3A_477 = arith.constant 2 : i32
      %mul3A_478 = vector.broadcast %mul3A_477 : i32 to vector<16xi32>
      %mul3A_479 = arith.muli %mul3A_478, %add3A_473 : vector<16xi32>
      %add3A_480 = vector.broadcast %add3A_308 : i32 to vector<16xi32>
      %add3A_481 = arith.addi %add3A_480, %mul3A_479 : vector<16xi32>
      %sub3A_482 = arith.constant 64 : i32
      %sub3A_483 = vector.broadcast %sub3A_482 : i32 to vector<16xi32>
      %sub3A_484 = arith.subi %add3A_473, %sub3A_483 : vector<16xi32>
      %mul3A_485 = arith.constant 2 : i32
      %mul3A_486 = vector.broadcast %mul3A_485 : i32 to vector<16xi32>
      %mul3A_487 = arith.muli %mul3A_486, %sub3A_484 : vector<16xi32>
      %add3A_488 = vector.broadcast %add3A_308 : i32 to vector<16xi32>
      %add3A_489 = arith.addi %add3A_488, %mul3A_487 : vector<16xi32>
      %add3A_490 = arith.constant 1 : i32
      %add3A_491 = vector.broadcast %add3A_490 : i32 to vector<16xi32>
      %add3A_492 = arith.addi %add3A_489, %add3A_491 : vector<16xi32>
      %select_n3A_493 = arith.select %lt3A_476, %add3A_481, %add3A_492 : vector<16xi1>, vector<16xi32>
      %swap3A_494 = arith.constant 96 : index
      %swap3A_495 = tpu.vector_load %arg6[%swap3A_494] {strides = array<i32>} : memref<128xi32, #tpu.memory_space<vmem>>, vector<16xi32>,
      %swap3A_496 = vector.shape_cast %swap3A_495 : vector<16xi32> to vector<16xi32>
      %swap3A_497 = vector.shape_cast %select_n3A_493 : vector<16xi32> to vector<16xi32>
      tpu.vector_store %arg6[%swap3A_494], %swap3A_497 {strides = array<i32>} : memref<128xi32, #tpu.memory_space<vmem>>, vector<16xi32>,
      %add3A_498 = arith.constant 112 : i32
      %add3A_499 = vector.broadcast %add3A_498 : i32 to vector<16xi32>
      %add3A_500 = arith.addi %iota3A, %add3A_499 : vector<16xi32>
      %lt3A_501 = arith.constant 64 : i32
      %lt3A_502 = vector.broadcast %lt3A_501 : i32 to vector<16xi32>
      %lt3A_503 = arith.cmpi slt, %add3A_500, %lt3A_502 : vector<16xi32>
      %mul3A_504 = arith.constant 2 : i32
      %mul3A_505 = vector.broadcast %mul3A_504 : i32 to vector<16xi32>
      %mul3A_506 = arith.muli %mul3A_505, %add3A_500 : vector<16xi32>
      %add3A_507 = vector.broadcast %add3A_308 : i32 to vector<16xi32>
      %add3A_508 = arith.addi %add3A_507, %mul3A_506 : vector<16xi32>
      %sub3A_509 = arith.constant 64 : i32
      %sub3A_510 = vector.broadcast %sub3A_509 : i32 to vector<16xi32>
      %sub3A_511 = arith.subi %add3A_500, %sub3A_510 : vector<16xi32>
      %mul3A_512 = arith.constant 2 : i32
      %mul3A_513 = vector.broadcast %mul3A_512 : i32 to vector<16xi32>
      %mul3A_514 = arith.muli %mul3A_513, %sub3A_511 : vector<16xi32>
      %add3A_515 = vector.broadcast %add3A_308 : i32 to vector<16xi32>
      %add3A_516 = arith.addi %add3A_515, %mul3A_514 : vector<16xi32>
      %add3A_517 = arith.constant 1 : i32
      %add3A_518 = vector.broadcast %add3A_517 : i32 to vector<16xi32>
      %add3A_519 = arith.addi %add3A_516, %add3A_518 : vector<16xi32>
      %select_n3A_520 = arith.select %lt3A_503, %add3A_508, %add3A_519 : vector<16xi1>, vector<16xi32>
      %swap3A_521 = arith.constant 112 : index
      %swap3A_522 = tpu.vector_load %arg6[%swap3A_521] {strides = array<i32>} : memref<128xi32, #tpu.memory_space<vmem>>, vector<16xi32>,
      %swap3A_523 = vector.shape_cast %swap3A_522 : vector<16xi32> to vector<16xi32>
      %swap3A_524 = vector.shape_cast %select_n3A_520 : vector<16xi32> to vector<16xi32>
      tpu.vector_store %arg6[%swap3A_521], %swap3A_524 {strides = array<i32>} : memref<128xi32, #tpu.memory_space<vmem>>, vector<16xi32>,
      %dma_start3A_525 = arith.constant 0 : i32
      %dma_start3A_526 = arith.constant 0 : i32
      %dma_start3A_527 = tpu.memref_slice %arg4[%dma_start3A_525, %dma_start3A_526] : memref<200704x64xf32, #tpu.memory_space<hbm>> -> memref<200704x64xf32, #tpu.memory_space<hbm>>
      tpu.enqueue_indirect_dma source(%arg7 : memref<128x64xf32, #tpu.memory_space<vmem>>) target(%dma_start3A_527 : memref<200704x64xf32, #tpu.memory_space<hbm>>) offsets(%arg6 : memref<128xi32, #tpu.memory_space<vmem>>) semaphore(%arg11 : memref<!tpu.dma_semaphore, #tpu.memory_space<semaphore_mem>>)
      %dma_wait3A_528 = arith.constant 0 : i32
      %dma_wait3A_529 = arith.constant 0 : i32
      %dma_wait3A_530 = tpu.memref_slice %arg4[%dma_wait3A_528, %dma_wait3A_529] : memref<200704x64xf32, #tpu.memory_space<hbm>> -> memref<200704x64xf32, #tpu.memory_space<hbm>>
      tpu.wait_indirect_dma semaphore(%arg11 : memref<!tpu.dma_semaphore, #tpu.memory_space<semaphore_mem>>) src(%arg7 : memref<128x64xf32, #tpu.memory_space<vmem>>) dst(%dma_wait3A_530 : memref<200704x64xf32, #tpu.memory_space<hbm>>)
      %add3A_531 = arith.constant 0 : i32
      %add3A_532 = arith.addi %mul3A_297, %add3A_531 : i32
      %add3A_533 = arith.constant 2 : i32
      %add3A_534 = arith.addi %add3A_532, %add3A_533 : i32
      %lt3A_535 = arith.constant 49 : i32
      %lt3A_536 = arith.cmpi slt, %add3A_534, %lt3A_535 : i32
      %convert_element_type3A = arith.extui %lt3A_536 : i1 to i32
      %cond3A = arith.constant 0 : i32
      %cond3A_537 = arith.cmpi ne, %convert_element_type3A, %cond3A : i32
      scf.if %cond3A_537 {
        %add3A_780 = arith.constant 0 : i32
        %add3A_781 = arith.addi %mul3A_297, %add3A_780 : i32
        %add3A_782 = arith.constant 2 : i32
        %add3A_783 = arith.addi %add3A_781, %add3A_782 : i32
        %mul3A_784 = arith.constant 128 : i32
        %mul3A_785 = arith.muli %add3A_783, %mul3A_784 : i32
        %add3A_786 = arith.addi %mul3A_2, %mul3A_785 : i32
        %shift_right_arithmetic3A_787 = arith.constant 10 : i32
        %shift_right_arithmetic3A_788 = arith.shrsi %add3A_786, %shift_right_arithmetic3A_787 : i32
        %shift_left3A_789 = arith.constant 10 : i32
        %shift_left3A_790 = arith.shli %shift_right_arithmetic3A_788, %shift_left3A_789 : i32
        %shift_right_arithmetic3A_791 = arith.constant 7 : i32
        %shift_right_arithmetic3A_792 = arith.shrsi %add3A_786, %shift_right_arithmetic3A_791 : i32
        %and3A_793 = arith.constant 7 : i32
        %and3A_794 = arith.andi %shift_right_arithmetic3A_792, %and3A_793 : i32
        %mul3A_795 = arith.constant 64 : i32
        %mul3A_796 = arith.muli %mul3A_795, %and3A_794 : i32
        %add3A_797 = arith.addi %shift_left3A_790, %mul3A_796 : i32
        %sub3A_798 = arith.subi %add3A_797, %multiple_of3A : i32
        %multiple_of3A_799 = tpu.assume_multiple %sub3A_798, 64 : i32
        %dma_start3A_800 = arith.constant 0 : i32
        %dma_start3A_801 = arith.constant 0 : i32
        %dma_start3A_802 = tpu.memref_slice %arg7[%dma_start3A_800, %dma_start3A_801] : memref<128x64xf32, #tpu.memory_space<vmem>> -> memref<64x64xf32, #tpu.memory_space<vmem>>
        %dma_start3A_803 = tpu.memref_slice %arg5[%multiple_of3A_799] : memref<8192xi32, #tpu.memory_space<vmem>> -> memref<64xi32, #tpu.memory_space<vmem>>
        %dma_start3A_804 = arith.constant 0 : i32
        %dma_start3A_805 = arith.constant 0 : i32
        %dma_start3A_806 = tpu.memref_slice %arg2[%dma_start3A_804, %dma_start3A_805] : memref<66536x64xf32, #tpu.memory_space<hbm>> -> memref<66536x64xf32, #tpu.memory_space<hbm>>
        tpu.enqueue_indirect_dma source(%dma_start3A_806 : memref<66536x64xf32, #tpu.memory_space<hbm>>) target(%dma_start3A_802 : memref<64x64xf32, #tpu.memory_space<vmem>>) offsets(%dma_start3A_803 : memref<64xi32, #tpu.memory_space<vmem>>) semaphore(%arg9 : memref<!tpu.dma_semaphore, #tpu.memory_space<semaphore_mem>>)
        %add3A_807 = arith.constant 512 : i32
        %add3A_808 = arith.addi %multiple_of3A_799, %add3A_807 : i32
        %dma_start3A_809 = arith.constant 64 : i32
        %dma_start3A_810 = arith.constant 0 : i32
        %dma_start3A_811 = tpu.memref_slice %arg7[%dma_start3A_809, %dma_start3A_810] : memref<128x64xf32, #tpu.memory_space<vmem>> -> memref<64x64xf32, #tpu.memory_space<vmem>>
        %dma_start3A_812 = tpu.memref_slice %arg5[%add3A_808] : memref<8192xi32, #tpu.memory_space<vmem>> -> memref<64xi32, #tpu.memory_space<vmem>>
        %dma_start3A_813 = arith.constant 0 : i32
        %dma_start3A_814 = arith.constant 0 : i32
        %dma_start3A_815 = tpu.memref_slice %arg2[%dma_start3A_813, %dma_start3A_814] : memref<66536x64xf32, #tpu.memory_space<hbm>> -> memref<66536x64xf32, #tpu.memory_space<hbm>>
        tpu.enqueue_indirect_dma source(%dma_start3A_815 : memref<66536x64xf32, #tpu.memory_space<hbm>>) target(%dma_start3A_811 : memref<64x64xf32, #tpu.memory_space<vmem>>) offsets(%dma_start3A_812 : memref<64xi32, #tpu.memory_space<vmem>>) semaphore(%arg9 : memref<!tpu.dma_semaphore, #tpu.memory_space<semaphore_mem>>)
      } else {
      }
      %dma_wait3A_538 = arith.constant 0 : i32
      %dma_wait3A_539 = arith.constant 0 : i32
      %dma_wait3A_540 = tpu.memref_slice %arg2[%dma_wait3A_538, %dma_wait3A_539] : memref<66536x64xf32, #tpu.memory_space<hbm>> -> memref<128x64xf32, #tpu.memory_space<hbm>>
      %dma_wait3A_541 = arith.constant 0 : i32
      %dma_wait3A_542 = arith.constant 0 : i32
      %dma_wait3A_543 = tpu.memref_slice %arg2[%dma_wait3A_541, %dma_wait3A_542] : memref<66536x64xf32, #tpu.memory_space<hbm>> -> memref<128x64xf32, #tpu.memory_space<hbm>>
      tpu.wait_dma2 semaphore(%arg10 : memref<!tpu.dma_semaphore, #tpu.memory_space<semaphore_mem>>) src(%dma_wait3A_543 : memref<128x64xf32, #tpu.memory_space<hbm>>) dst(%arg8 : memref<128x64xf32, #tpu.memory_space<vmem>>)
      %add3A_544 = arith.constant 1 : i32
      %add3A_545 = arith.addi %mul3A_297, %add3A_544 : i32
      %mul3A_546 = arith.constant 128 : i32
      %mul3A_547 = arith.muli %add3A_545, %mul3A_546 : i32
      %add3A_548 = arith.addi %mul3A_2, %mul3A_547 : i32
      %add3A_549 = arith.constant 0 : i32
      %add3A_550 = vector.broadcast %add3A_549 : i32 to vector<16xi32>
      %add3A_551 = arith.addi %iota3A, %add3A_550 : vector<16xi32>
      %lt3A_552 = arith.constant 64 : i32
      %lt3A_553 = vector.broadcast %lt3A_552 : i32 to vector<16xi32>
      %lt3A_554 = arith.cmpi slt, %add3A_551, %lt3A_553 : vector<16xi32>
      %mul3A_555 = arith.constant 2 : i32
      %mul3A_556 = vector.broadcast %mul3A_555 : i32 to vector<16xi32>
      %mul3A_557 = arith.muli %mul3A_556, %add3A_551 : vector<16xi32>
      %add3A_558 = vector.broadcast %add3A_548 : i32 to vector<16xi32>
      %add3A_559 = arith.addi %add3A_558, %mul3A_557 : vector<16xi32>
      %sub3A_560 = arith.constant 64 : i32
      %sub3A_561 = vector.broadcast %sub3A_560 : i32 to vector<16xi32>
      %sub3A_562 = arith.subi %add3A_551, %sub3A_561 : vector<16xi32>
      %mul3A_563 = arith.constant 2 : i32
      %mul3A_564 = vector.broadcast %mul3A_563 : i32 to vector<16xi32>
      %mul3A_565 = arith.muli %mul3A_564, %sub3A_562 : vector<16xi32>
      %add3A_566 = vector.broadcast %add3A_548 : i32 to vector<16xi32>
      %add3A_567 = arith.addi %add3A_566, %mul3A_565 : vector<16xi32>
      %add3A_568 = arith.constant 1 : i32
      %add3A_569 = vector.broadcast %add3A_568 : i32 to vector<16xi32>
      %add3A_570 = arith.addi %add3A_567, %add3A_569 : vector<16xi32>
      %select_n3A_571 = arith.select %lt3A_554, %add3A_559, %add3A_570 : vector<16xi1>, vector<16xi32>
      %swap3A_572 = arith.constant 0 : index
      %swap3A_573 = tpu.vector_load %arg6[%swap3A_572] {strides = array<i32>} : memref<128xi32, #tpu.memory_space<vmem>>, vector<16xi32>,
      %swap3A_574 = vector.shape_cast %swap3A_573 : vector<16xi32> to vector<16xi32>
      %swap3A_575 = vector.shape_cast %select_n3A_571 : vector<16xi32> to vector<16xi32>
      tpu.vector_store %arg6[%swap3A_572], %swap3A_575 {strides = array<i32>} : memref<128xi32, #tpu.memory_space<vmem>>, vector<16xi32>,
      %add3A_576 = arith.constant 16 : i32
      %add3A_577 = vector.broadcast %add3A_576 : i32 to vector<16xi32>
      %add3A_578 = arith.addi %iota3A, %add3A_577 : vector<16xi32>
      %lt3A_579 = arith.constant 64 : i32
      %lt3A_580 = vector.broadcast %lt3A_579 : i32 to vector<16xi32>
      %lt3A_581 = arith.cmpi slt, %add3A_578, %lt3A_580 : vector<16xi32>
      %mul3A_582 = arith.constant 2 : i32
      %mul3A_583 = vector.broadcast %mul3A_582 : i32 to vector<16xi32>
      %mul3A_584 = arith.muli %mul3A_583, %add3A_578 : vector<16xi32>
      %add3A_585 = vector.broadcast %add3A_548 : i32 to vector<16xi32>
      %add3A_586 = arith.addi %add3A_585, %mul3A_584 : vector<16xi32>
      %sub3A_587 = arith.constant 64 : i32
      %sub3A_588 = vector.broadcast %sub3A_587 : i32 to vector<16xi32>
      %sub3A_589 = arith.subi %add3A_578, %sub3A_588 : vector<16xi32>
      %mul3A_590 = arith.constant 2 : i32
      %mul3A_591 = vector.broadcast %mul3A_590 : i32 to vector<16xi32>
      %mul3A_592 = arith.muli %mul3A_591, %sub3A_589 : vector<16xi32>
      %add3A_593 = vector.broadcast %add3A_548 : i32 to vector<16xi32>
      %add3A_594 = arith.addi %add3A_593, %mul3A_592 : vector<16xi32>
      %add3A_595 = arith.constant 1 : i32
      %add3A_596 = vector.broadcast %add3A_595 : i32 to vector<16xi32>
      %add3A_597 = arith.addi %add3A_594, %add3A_596 : vector<16xi32>
      %select_n3A_598 = arith.select %lt3A_581, %add3A_586, %add3A_597 : vector<16xi1>, vector<16xi32>
      %swap3A_599 = arith.constant 16 : index
      %swap3A_600 = tpu.vector_load %arg6[%swap3A_599] {strides = array<i32>} : memref<128xi32, #tpu.memory_space<vmem>>, vector<16xi32>,
      %swap3A_601 = vector.shape_cast %swap3A_600 : vector<16xi32> to vector<16xi32>
      %swap3A_602 = vector.shape_cast %select_n3A_598 : vector<16xi32> to vector<16xi32>
      tpu.vector_store %arg6[%swap3A_599], %swap3A_602 {strides = array<i32>} : memref<128xi32, #tpu.memory_space<vmem>>, vector<16xi32>,
      %add3A_603 = arith.constant 32 : i32
      %add3A_604 = vector.broadcast %add3A_603 : i32 to vector<16xi32>
      %add3A_605 = arith.addi %iota3A, %add3A_604 : vector<16xi32>
      %lt3A_606 = arith.constant 64 : i32
      %lt3A_607 = vector.broadcast %lt3A_606 : i32 to vector<16xi32>
      %lt3A_608 = arith.cmpi slt, %add3A_605, %lt3A_607 : vector<16xi32>
      %mul3A_609 = arith.constant 2 : i32
      %mul3A_610 = vector.broadcast %mul3A_609 : i32 to vector<16xi32>
      %mul3A_611 = arith.muli %mul3A_610, %add3A_605 : vector<16xi32>
      %add3A_612 = vector.broadcast %add3A_548 : i32 to vector<16xi32>
      %add3A_613 = arith.addi %add3A_612, %mul3A_611 : vector<16xi32>
      %sub3A_614 = arith.constant 64 : i32
      %sub3A_615 = vector.broadcast %sub3A_614 : i32 to vector<16xi32>
      %sub3A_616 = arith.subi %add3A_605, %sub3A_615 : vector<16xi32>
      %mul3A_617 = arith.constant 2 : i32
      %mul3A_618 = vector.broadcast %mul3A_617 : i32 to vector<16xi32>
      %mul3A_619 = arith.muli %mul3A_618, %sub3A_616 : vector<16xi32>
      %add3A_620 = vector.broadcast %add3A_548 : i32 to vector<16xi32>
      %add3A_621 = arith.addi %add3A_620, %mul3A_619 : vector<16xi32>
      %add3A_622 = arith.constant 1 : i32
      %add3A_623 = vector.broadcast %add3A_622 : i32 to vector<16xi32>
      %add3A_624 = arith.addi %add3A_621, %add3A_623 : vector<16xi32>
      %select_n3A_625 = arith.select %lt3A_608, %add3A_613, %add3A_624 : vector<16xi1>, vector<16xi32>
      %swap3A_626 = arith.constant 32 : index
      %swap3A_627 = tpu.vector_load %arg6[%swap3A_626] {strides = array<i32>} : memref<128xi32, #tpu.memory_space<vmem>>, vector<16xi32>,
      %swap3A_628 = vector.shape_cast %swap3A_627 : vector<16xi32> to vector<16xi32>
      %swap3A_629 = vector.shape_cast %select_n3A_625 : vector<16xi32> to vector<16xi32>
      tpu.vector_store %arg6[%swap3A_626], %swap3A_629 {strides = array<i32>} : memref<128xi32, #tpu.memory_space<vmem>>, vector<16xi32>,
      %add3A_630 = arith.constant 48 : i32
      %add3A_631 = vector.broadcast %add3A_630 : i32 to vector<16xi32>
      %add3A_632 = arith.addi %iota3A, %add3A_631 : vector<16xi32>
      %lt3A_633 = arith.constant 64 : i32
      %lt3A_634 = vector.broadcast %lt3A_633 : i32 to vector<16xi32>
      %lt3A_635 = arith.cmpi slt, %add3A_632, %lt3A_634 : vector<16xi32>
      %mul3A_636 = arith.constant 2 : i32
      %mul3A_637 = vector.broadcast %mul3A_636 : i32 to vector<16xi32>
      %mul3A_638 = arith.muli %mul3A_637, %add3A_632 : vector<16xi32>
      %add3A_639 = vector.broadcast %add3A_548 : i32 to vector<16xi32>
      %add3A_640 = arith.addi %add3A_639, %mul3A_638 : vector<16xi32>
      %sub3A_641 = arith.constant 64 : i32
      %sub3A_642 = vector.broadcast %sub3A_641 : i32 to vector<16xi32>
      %sub3A_643 = arith.subi %add3A_632, %sub3A_642 : vector<16xi32>
      %mul3A_644 = arith.constant 2 : i32
      %mul3A_645 = vector.broadcast %mul3A_644 : i32 to vector<16xi32>
      %mul3A_646 = arith.muli %mul3A_645, %sub3A_643 : vector<16xi32>
      %add3A_647 = vector.broadcast %add3A_548 : i32 to vector<16xi32>
      %add3A_648 = arith.addi %add3A_647, %mul3A_646 : vector<16xi32>
      %add3A_649 = arith.constant 1 : i32
      %add3A_650 = vector.broadcast %add3A_649 : i32 to vector<16xi32>
      %add3A_651 = arith.addi %add3A_648, %add3A_650 : vector<16xi32>
      %select_n3A_652 = arith.select %lt3A_635, %add3A_640, %add3A_651 : vector<16xi1>, vector<16xi32>
      %swap3A_653 = arith.constant 48 : index
      %swap3A_654 = tpu.vector_load %arg6[%swap3A_653] {strides = array<i32>} : memref<128xi32, #tpu.memory_space<vmem>>, vector<16xi32>,
      %swap3A_655 = vector.shape_cast %swap3A_654 : vector<16xi32> to vector<16xi32>
      %swap3A_656 = vector.shape_cast %select_n3A_652 : vector<16xi32> to vector<16xi32>
      tpu.vector_store %arg6[%swap3A_653], %swap3A_656 {strides = array<i32>} : memref<128xi32, #tpu.memory_space<vmem>>, vector<16xi32>,
      %add3A_657 = arith.constant 64 : i32
      %add3A_658 = vector.broadcast %add3A_657 : i32 to vector<16xi32>
      %add3A_659 = arith.addi %iota3A, %add3A_658 : vector<16xi32>
      %lt3A_660 = arith.constant 64 : i32
      %lt3A_661 = vector.broadcast %lt3A_660 : i32 to vector<16xi32>
      %lt3A_662 = arith.cmpi slt, %add3A_659, %lt3A_661 : vector<16xi32>
      %mul3A_663 = arith.constant 2 : i32
      %mul3A_664 = vector.broadcast %mul3A_663 : i32 to vector<16xi32>
      %mul3A_665 = arith.muli %mul3A_664, %add3A_659 : vector<16xi32>
      %add3A_666 = vector.broadcast %add3A_548 : i32 to vector<16xi32>
      %add3A_667 = arith.addi %add3A_666, %mul3A_665 : vector<16xi32>
      %sub3A_668 = arith.constant 64 : i32
      %sub3A_669 = vector.broadcast %sub3A_668 : i32 to vector<16xi32>
      %sub3A_670 = arith.subi %add3A_659, %sub3A_669 : vector<16xi32>
      %mul3A_671 = arith.constant 2 : i32
      %mul3A_672 = vector.broadcast %mul3A_671 : i32 to vector<16xi32>
      %mul3A_673 = arith.muli %mul3A_672, %sub3A_670 : vector<16xi32>
      %add3A_674 = vector.broadcast %add3A_548 : i32 to vector<16xi32>
      %add3A_675 = arith.addi %add3A_674, %mul3A_673 : vector<16xi32>
      %add3A_676 = arith.constant 1 : i32
      %add3A_677 = vector.broadcast %add3A_676 : i32 to vector<16xi32>
      %add3A_678 = arith.addi %add3A_675, %add3A_677 : vector<16xi32>
      %select_n3A_679 = arith.select %lt3A_662, %add3A_667, %add3A_678 : vector<16xi1>, vector<16xi32>
      %swap3A_680 = arith.constant 64 : index
      %swap3A_681 = tpu.vector_load %arg6[%swap3A_680] {strides = array<i32>} : memref<128xi32, #tpu.memory_space<vmem>>, vector<16xi32>,
      %swap3A_682 = vector.shape_cast %swap3A_681 : vector<16xi32> to vector<16xi32>
      %swap3A_683 = vector.shape_cast %select_n3A_679 : vector<16xi32> to vector<16xi32>
      tpu.vector_store %arg6[%swap3A_680], %swap3A_683 {strides = array<i32>} : memref<128xi32, #tpu.memory_space<vmem>>, vector<16xi32>,
      %add3A_684 = arith.constant 80 : i32
      %add3A_685 = vector.broadcast %add3A_684 : i32 to vector<16xi32>
      %add3A_686 = arith.addi %iota3A, %add3A_685 : vector<16xi32>
      %lt3A_687 = arith.constant 64 : i32
      %lt3A_688 = vector.broadcast %lt3A_687 : i32 to vector<16xi32>
      %lt3A_689 = arith.cmpi slt, %add3A_686, %lt3A_688 : vector<16xi32>
      %mul3A_690 = arith.constant 2 : i32
      %mul3A_691 = vector.broadcast %mul3A_690 : i32 to vector<16xi32>
      %mul3A_692 = arith.muli %mul3A_691, %add3A_686 : vector<16xi32>
      %add3A_693 = vector.broadcast %add3A_548 : i32 to vector<16xi32>
      %add3A_694 = arith.addi %add3A_693, %mul3A_692 : vector<16xi32>
      %sub3A_695 = arith.constant 64 : i32
      %sub3A_696 = vector.broadcast %sub3A_695 : i32 to vector<16xi32>
      %sub3A_697 = arith.subi %add3A_686, %sub3A_696 : vector<16xi32>
      %mul3A_698 = arith.constant 2 : i32
      %mul3A_699 = vector.broadcast %mul3A_698 : i32 to vector<16xi32>
      %mul3A_700 = arith.muli %mul3A_699, %sub3A_697 : vector<16xi32>
      %add3A_701 = vector.broadcast %add3A_548 : i32 to vector<16xi32>
      %add3A_702 = arith.addi %add3A_701, %mul3A_700 : vector<16xi32>
      %add3A_703 = arith.constant 1 : i32
      %add3A_704 = vector.broadcast %add3A_703 : i32 to vector<16xi32>
      %add3A_705 = arith.addi %add3A_702, %add3A_704 : vector<16xi32>
      %select_n3A_706 = arith.select %lt3A_689, %add3A_694, %add3A_705 : vector<16xi1>, vector<16xi32>
      %swap3A_707 = arith.constant 80 : index
      %swap3A_708 = tpu.vector_load %arg6[%swap3A_707] {strides = array<i32>} : memref<128xi32, #tpu.memory_space<vmem>>, vector<16xi32>,
      %swap3A_709 = vector.shape_cast %swap3A_708 : vector<16xi32> to vector<16xi32>
      %swap3A_710 = vector.shape_cast %select_n3A_706 : vector<16xi32> to vector<16xi32>
      tpu.vector_store %arg6[%swap3A_707], %swap3A_710 {strides = array<i32>} : memref<128xi32, #tpu.memory_space<vmem>>, vector<16xi32>,
      %add3A_711 = arith.constant 96 : i32
      %add3A_712 = vector.broadcast %add3A_711 : i32 to vector<16xi32>
      %add3A_713 = arith.addi %iota3A, %add3A_712 : vector<16xi32>
      %lt3A_714 = arith.constant 64 : i32
      %lt3A_715 = vector.broadcast %lt3A_714 : i32 to vector<16xi32>
      %lt3A_716 = arith.cmpi slt, %add3A_713, %lt3A_715 : vector<16xi32>
      %mul3A_717 = arith.constant 2 : i32
      %mul3A_718 = vector.broadcast %mul3A_717 : i32 to vector<16xi32>
      %mul3A_719 = arith.muli %mul3A_718, %add3A_713 : vector<16xi32>
      %add3A_720 = vector.broadcast %add3A_548 : i32 to vector<16xi32>
      %add3A_721 = arith.addi %add3A_720, %mul3A_719 : vector<16xi32>
      %sub3A_722 = arith.constant 64 : i32
      %sub3A_723 = vector.broadcast %sub3A_722 : i32 to vector<16xi32>
      %sub3A_724 = arith.subi %add3A_713, %sub3A_723 : vector<16xi32>
      %mul3A_725 = arith.constant 2 : i32
      %mul3A_726 = vector.broadcast %mul3A_725 : i32 to vector<16xi32>
      %mul3A_727 = arith.muli %mul3A_726, %sub3A_724 : vector<16xi32>
      %add3A_728 = vector.broadcast %add3A_548 : i32 to vector<16xi32>
      %add3A_729 = arith.addi %add3A_728, %mul3A_727 : vector<16xi32>
      %add3A_730 = arith.constant 1 : i32
      %add3A_731 = vector.broadcast %add3A_730 : i32 to vector<16xi32>
      %add3A_732 = arith.addi %add3A_729, %add3A_731 : vector<16xi32>
      %select_n3A_733 = arith.select %lt3A_716, %add3A_721, %add3A_732 : vector<16xi1>, vector<16xi32>
      %swap3A_734 = arith.constant 96 : index
      %swap3A_735 = tpu.vector_load %arg6[%swap3A_734] {strides = array<i32>} : memref<128xi32, #tpu.memory_space<vmem>>, vector<16xi32>,
      %swap3A_736 = vector.shape_cast %swap3A_735 : vector<16xi32> to vector<16xi32>
      %swap3A_737 = vector.shape_cast %select_n3A_733 : vector<16xi32> to vector<16xi32>
      tpu.vector_store %arg6[%swap3A_734], %swap3A_737 {strides = array<i32>} : memref<128xi32, #tpu.memory_space<vmem>>, vector<16xi32>,
      %add3A_738 = arith.constant 112 : i32
      %add3A_739 = vector.broadcast %add3A_738 : i32 to vector<16xi32>
      %add3A_740 = arith.addi %iota3A, %add3A_739 : vector<16xi32>
      %lt3A_741 = arith.constant 64 : i32
      %lt3A_742 = vector.broadcast %lt3A_741 : i32 to vector<16xi32>
      %lt3A_743 = arith.cmpi slt, %add3A_740, %lt3A_742 : vector<16xi32>
      %mul3A_744 = arith.constant 2 : i32
      %mul3A_745 = vector.broadcast %mul3A_744 : i32 to vector<16xi32>
      %mul3A_746 = arith.muli %mul3A_745, %add3A_740 : vector<16xi32>
      %add3A_747 = vector.broadcast %add3A_548 : i32 to vector<16xi32>
      %add3A_748 = arith.addi %add3A_747, %mul3A_746 : vector<16xi32>
      %sub3A_749 = arith.constant 64 : i32
      %sub3A_750 = vector.broadcast %sub3A_749 : i32 to vector<16xi32>
      %sub3A_751 = arith.subi %add3A_740, %sub3A_750 : vector<16xi32>
      %mul3A_752 = arith.constant 2 : i32
      %mul3A_753 = vector.broadcast %mul3A_752 : i32 to vector<16xi32>
      %mul3A_754 = arith.muli %mul3A_753, %sub3A_751 : vector<16xi32>
      %add3A_755 = vector.broadcast %add3A_548 : i32 to vector<16xi32>
      %add3A_756 = arith.addi %add3A_755, %mul3A_754 : vector<16xi32>
      %add3A_757 = arith.constant 1 : i32
      %add3A_758 = vector.broadcast %add3A_757 : i32 to vector<16xi32>
      %add3A_759 = arith.addi %add3A_756, %add3A_758 : vector<16xi32>
      %select_n3A_760 = arith.select %lt3A_743, %add3A_748, %add3A_759 : vector<16xi1>, vector<16xi32>
      %swap3A_761 = arith.constant 112 : index
      %swap3A_762 = tpu.vector_load %arg6[%swap3A_761] {strides = array<i32>} : memref<128xi32, #tpu.memory_space<vmem>>, vector<16xi32>,
      %swap3A_763 = vector.shape_cast %swap3A_762 : vector<16xi32> to vector<16xi32>
      %swap3A_764 = vector.shape_cast %select_n3A_760 : vector<16xi32> to vector<16xi32>
      tpu.vector_store %arg6[%swap3A_761], %swap3A_764 {strides = array<i32>} : memref<128xi32, #tpu.memory_space<vmem>>, vector<16xi32>,
      %dma_start3A_765 = arith.constant 0 : i32
      %dma_start3A_766 = arith.constant 0 : i32
      %dma_start3A_767 = tpu.memref_slice %arg4[%dma_start3A_765, %dma_start3A_766] : memref<200704x64xf32, #tpu.memory_space<hbm>> -> memref<200704x64xf32, #tpu.memory_space<hbm>>
      tpu.enqueue_indirect_dma source(%arg8 : memref<128x64xf32, #tpu.memory_space<vmem>>) target(%dma_start3A_767 : memref<200704x64xf32, #tpu.memory_space<hbm>>) offsets(%arg6 : memref<128xi32, #tpu.memory_space<vmem>>) semaphore(%arg11 : memref<!tpu.dma_semaphore, #tpu.memory_space<semaphore_mem>>)
      %dma_wait3A_768 = arith.constant 0 : i32
      %dma_wait3A_769 = arith.constant 0 : i32
      %dma_wait3A_770 = tpu.memref_slice %arg4[%dma_wait3A_768, %dma_wait3A_769] : memref<200704x64xf32, #tpu.memory_space<hbm>> -> memref<200704x64xf32, #tpu.memory_space<hbm>>
      tpu.wait_indirect_dma semaphore(%arg11 : memref<!tpu.dma_semaphore, #tpu.memory_space<semaphore_mem>>) src(%arg8 : memref<128x64xf32, #tpu.memory_space<vmem>>) dst(%dma_wait3A_770 : memref<200704x64xf32, #tpu.memory_space<hbm>>)
      %add3A_771 = arith.constant 1 : i32
      %add3A_772 = arith.addi %mul3A_297, %add3A_771 : i32
      %add3A_773 = arith.constant 2 : i32
      %add3A_774 = arith.addi %add3A_772, %add3A_773 : i32
      %lt3A_775 = arith.constant 49 : i32
      %lt3A_776 = arith.cmpi slt, %add3A_774, %lt3A_775 : i32
      %convert_element_type3A_777 = arith.extui %lt3A_776 : i1 to i32
      %cond3A_778 = arith.constant 0 : i32
      %cond3A_779 = arith.cmpi ne, %convert_element_type3A_777, %cond3A_778 : i32
      scf.if %cond3A_779 {
        %add3A_780 = arith.constant 1 : i32
        %add3A_781 = arith.addi %mul3A_297, %add3A_780 : i32
        %add3A_782 = arith.constant 2 : i32
        %add3A_783 = arith.addi %add3A_781, %add3A_782 : i32
        %mul3A_784 = arith.constant 128 : i32
        %mul3A_785 = arith.muli %add3A_783, %mul3A_784 : i32
        %add3A_786 = arith.addi %mul3A_2, %mul3A_785 : i32
        %shift_right_arithmetic3A_787 = arith.constant 10 : i32
        %shift_right_arithmetic3A_788 = arith.shrsi %add3A_786, %shift_right_arithmetic3A_787 : i32
        %shift_left3A_789 = arith.constant 10 : i32
        %shift_left3A_790 = arith.shli %shift_right_arithmetic3A_788, %shift_left3A_789 : i32
        %shift_right_arithmetic3A_791 = arith.constant 7 : i32
        %shift_right_arithmetic3A_792 = arith.shrsi %add3A_786, %shift_right_arithmetic3A_791 : i32
        %and3A_793 = arith.constant 7 : i32
        %and3A_794 = arith.andi %shift_right_arithmetic3A_792, %and3A_793 : i32
        %mul3A_795 = arith.constant 64 : i32
        %mul3A_796 = arith.muli %mul3A_795, %and3A_794 : i32
        %add3A_797 = arith.addi %shift_left3A_790, %mul3A_796 : i32
        %sub3A_798 = arith.subi %add3A_797, %multiple_of3A : i32
        %multiple_of3A_799 = tpu.assume_multiple %sub3A_798, 64 : i32
        %dma_start3A_800 = arith.constant 0 : i32
        %dma_start3A_801 = arith.constant 0 : i32
        %dma_start3A_802 = tpu.memref_slice %arg8[%dma_start3A_800, %dma_start3A_801] : memref<128x64xf32, #tpu.memory_space<vmem>> -> memref<64x64xf32, #tpu.memory_space<vmem>>
        %dma_start3A_803 = tpu.memref_slice %arg5[%multiple_of3A_799] : memref<8192xi32, #tpu.memory_space<vmem>> -> memref<64xi32, #tpu.memory_space<vmem>>
        %dma_start3A_804 = arith.constant 0 : i32
        %dma_start3A_805 = arith.constant 0 : i32
        %dma_start3A_806 = tpu.memref_slice %arg2[%dma_start3A_804, %dma_start3A_805] : memref<66536x64xf32, #tpu.memory_space<hbm>> -> memref<66536x64xf32, #tpu.memory_space<hbm>>
        tpu.enqueue_indirect_dma source(%dma_start3A_806 : memref<66536x64xf32, #tpu.memory_space<hbm>>) target(%dma_start3A_802 : memref<64x64xf32, #tpu.memory_space<vmem>>) offsets(%dma_start3A_803 : memref<64xi32, #tpu.memory_space<vmem>>) semaphore(%arg10 : memref<!tpu.dma_semaphore, #tpu.memory_space<semaphore_mem>>)
        %add3A_807 = arith.constant 512 : i32
        %add3A_808 = arith.addi %multiple_of3A_799, %add3A_807 : i32
        %dma_start3A_809 = arith.constant 64 : i32
        %dma_start3A_810 = arith.constant 0 : i32
        %dma_start3A_811 = tpu.memref_slice %arg8[%dma_start3A_809, %dma_start3A_810] : memref<128x64xf32, #tpu.memory_space<vmem>> -> memref<64x64xf32, #tpu.memory_space<vmem>>
        %dma_start3A_812 = tpu.memref_slice %arg5[%add3A_808] : memref<8192xi32, #tpu.memory_space<vmem>> -> memref<64xi32, #tpu.memory_space<vmem>>
        %dma_start3A_813 = arith.constant 0 : i32
        %dma_start3A_814 = arith.constant 0 : i32
        %dma_start3A_815 = tpu.memref_slice %arg2[%dma_start3A_813, %dma_start3A_814] : memref<66536x64xf32, #tpu.memory_space<hbm>> -> memref<66536x64xf32, #tpu.memory_space<hbm>>
        tpu.enqueue_indirect_dma source(%dma_start3A_815 : memref<66536x64xf32, #tpu.memory_space<hbm>>) target(%dma_start3A_811 : memref<64x64xf32, #tpu.memory_space<vmem>>) offsets(%dma_start3A_812 : memref<64xi32, #tpu.memory_space<vmem>>) semaphore(%arg10 : memref<!tpu.dma_semaphore, #tpu.memory_space<semaphore_mem>>)
      } else {
      }
    }
    %scan3A_68 = arith.constant 24 : i32
    %dma_wait3A = arith.constant 0 : i32
    %dma_wait3A_69 = arith.constant 0 : i32
    %dma_wait3A_70 = tpu.memref_slice %arg2[%dma_wait3A, %dma_wait3A_69] : memref<66536x64xf32, #tpu.memory_space<hbm>> -> memref<128x64xf32, #tpu.memory_space<hbm>>
    %dma_wait3A_71 = arith.constant 0 : i32
    %dma_wait3A_72 = arith.constant 0 : i32
    %dma_wait3A_73 = tpu.memref_slice %arg2[%dma_wait3A_71, %dma_wait3A_72] : memref<66536x64xf32, #tpu.memory_space<hbm>> -> memref<128x64xf32, #tpu.memory_space<hbm>>
    tpu.wait_dma2 semaphore(%arg9 : memref<!tpu.dma_semaphore, #tpu.memory_space<semaphore_mem>>) src(%dma_wait3A_73 : memref<128x64xf32, #tpu.memory_space<hbm>>) dst(%arg7 : memref<128x64xf32, #tpu.memory_space<vmem>>)
    %add3A_74 = arith.constant 6144 : i32
    %add3A_75 = arith.addi %mul3A_2, %add3A_74 : i32
    %add3A_76 = arith.constant 0 : i32
    %add3A_77 = vector.broadcast %add3A_76 : i32 to vector<16xi32>
    %add3A_78 = arith.addi %iota3A, %add3A_77 : vector<16xi32>
    %lt3A = arith.constant 64 : i32
    %lt3A_79 = vector.broadcast %lt3A : i32 to vector<16xi32>
    %lt3A_80 = arith.cmpi slt, %add3A_78, %lt3A_79 : vector<16xi32>
    %mul3A_81 = arith.constant 2 : i32
    %mul3A_82 = vector.broadcast %mul3A_81 : i32 to vector<16xi32>
    %mul3A_83 = arith.muli %mul3A_82, %add3A_78 : vector<16xi32>
    %add3A_84 = vector.broadcast %add3A_75 : i32 to vector<16xi32>
    %add3A_85 = arith.addi %add3A_84, %mul3A_83 : vector<16xi32>
    %sub3A_86 = arith.constant 64 : i32
    %sub3A_87 = vector.broadcast %sub3A_86 : i32 to vector<16xi32>
    %sub3A_88 = arith.subi %add3A_78, %sub3A_87 : vector<16xi32>
    %mul3A_89 = arith.constant 2 : i32
    %mul3A_90 = vector.broadcast %mul3A_89 : i32 to vector<16xi32>
    %mul3A_91 = arith.muli %mul3A_90, %sub3A_88 : vector<16xi32>
    %add3A_92 = vector.broadcast %add3A_75 : i32 to vector<16xi32>
    %add3A_93 = arith.addi %add3A_92, %mul3A_91 : vector<16xi32>
    %add3A_94 = arith.constant 1 : i32
    %add3A_95 = vector.broadcast %add3A_94 : i32 to vector<16xi32>
    %add3A_96 = arith.addi %add3A_93, %add3A_95 : vector<16xi32>
    %select_n3A = arith.select %lt3A_80, %add3A_85, %add3A_96 : vector<16xi1>, vector<16xi32>
    %swap3A = arith.constant 0 : index
    %swap3A_97 = tpu.vector_load %arg6[%swap3A] {strides = array<i32>} : memref<128xi32, #tpu.memory_space<vmem>>, vector<16xi32>,
    %swap3A_98 = vector.shape_cast %swap3A_97 : vector<16xi32> to vector<16xi32>
    %swap3A_99 = vector.shape_cast %select_n3A : vector<16xi32> to vector<16xi32>
    tpu.vector_store %arg6[%swap3A], %swap3A_99 {strides = array<i32>} : memref<128xi32, #tpu.memory_space<vmem>>, vector<16xi32>,
    %add3A_100 = arith.constant 16 : i32
    %add3A_101 = vector.broadcast %add3A_100 : i32 to vector<16xi32>
    %add3A_102 = arith.addi %iota3A, %add3A_101 : vector<16xi32>
    %lt3A_103 = arith.constant 64 : i32
    %lt3A_104 = vector.broadcast %lt3A_103 : i32 to vector<16xi32>
    %lt3A_105 = arith.cmpi slt, %add3A_102, %lt3A_104 : vector<16xi32>
    %mul3A_106 = arith.constant 2 : i32
    %mul3A_107 = vector.broadcast %mul3A_106 : i32 to vector<16xi32>
    %mul3A_108 = arith.muli %mul3A_107, %add3A_102 : vector<16xi32>
    %add3A_109 = vector.broadcast %add3A_75 : i32 to vector<16xi32>
    %add3A_110 = arith.addi %add3A_109, %mul3A_108 : vector<16xi32>
    %sub3A_111 = arith.constant 64 : i32
    %sub3A_112 = vector.broadcast %sub3A_111 : i32 to vector<16xi32>
    %sub3A_113 = arith.subi %add3A_102, %sub3A_112 : vector<16xi32>
    %mul3A_114 = arith.constant 2 : i32
    %mul3A_115 = vector.broadcast %mul3A_114 : i32 to vector<16xi32>
    %mul3A_116 = arith.muli %mul3A_115, %sub3A_113 : vector<16xi32>
    %add3A_117 = vector.broadcast %add3A_75 : i32 to vector<16xi32>
    %add3A_118 = arith.addi %add3A_117, %mul3A_116 : vector<16xi32>
    %add3A_119 = arith.constant 1 : i32
    %add3A_120 = vector.broadcast %add3A_119 : i32 to vector<16xi32>
    %add3A_121 = arith.addi %add3A_118, %add3A_120 : vector<16xi32>
    %select_n3A_122 = arith.select %lt3A_105, %add3A_110, %add3A_121 : vector<16xi1>, vector<16xi32>
    %swap3A_123 = arith.constant 16 : index
    %swap3A_124 = tpu.vector_load %arg6[%swap3A_123] {strides = array<i32>} : memref<128xi32, #tpu.memory_space<vmem>>, vector<16xi32>,
    %swap3A_125 = vector.shape_cast %swap3A_124 : vector<16xi32> to vector<16xi32>
    %swap3A_126 = vector.shape_cast %select_n3A_122 : vector<16xi32> to vector<16xi32>
    tpu.vector_store %arg6[%swap3A_123], %swap3A_126 {strides = array<i32>} : memref<128xi32, #tpu.memory_space<vmem>>, vector<16xi32>,
    %add3A_127 = arith.constant 32 : i32
    %add3A_128 = vector.broadcast %add3A_127 : i32 to vector<16xi32>
    %add3A_129 = arith.addi %iota3A, %add3A_128 : vector<16xi32>
    %lt3A_130 = arith.constant 64 : i32
    %lt3A_131 = vector.broadcast %lt3A_130 : i32 to vector<16xi32>
    %lt3A_132 = arith.cmpi slt, %add3A_129, %lt3A_131 : vector<16xi32>
    %mul3A_133 = arith.constant 2 : i32
    %mul3A_134 = vector.broadcast %mul3A_133 : i32 to vector<16xi32>
    %mul3A_135 = arith.muli %mul3A_134, %add3A_129 : vector<16xi32>
    %add3A_136 = vector.broadcast %add3A_75 : i32 to vector<16xi32>
    %add3A_137 = arith.addi %add3A_136, %mul3A_135 : vector<16xi32>
    %sub3A_138 = arith.constant 64 : i32
    %sub3A_139 = vector.broadcast %sub3A_138 : i32 to vector<16xi32>
    %sub3A_140 = arith.subi %add3A_129, %sub3A_139 : vector<16xi32>
    %mul3A_141 = arith.constant 2 : i32
    %mul3A_142 = vector.broadcast %mul3A_141 : i32 to vector<16xi32>
    %mul3A_143 = arith.muli %mul3A_142, %sub3A_140 : vector<16xi32>
    %add3A_144 = vector.broadcast %add3A_75 : i32 to vector<16xi32>
    %add3A_145 = arith.addi %add3A_144, %mul3A_143 : vector<16xi32>
    %add3A_146 = arith.constant 1 : i32
    %add3A_147 = vector.broadcast %add3A_146 : i32 to vector<16xi32>
    %add3A_148 = arith.addi %add3A_145, %add3A_147 : vector<16xi32>
    %select_n3A_149 = arith.select %lt3A_132, %add3A_137, %add3A_148 : vector<16xi1>, vector<16xi32>
    %swap3A_150 = arith.constant 32 : index
    %swap3A_151 = tpu.vector_load %arg6[%swap3A_150] {strides = array<i32>} : memref<128xi32, #tpu.memory_space<vmem>>, vector<16xi32>,
    %swap3A_152 = vector.shape_cast %swap3A_151 : vector<16xi32> to vector<16xi32>
    %swap3A_153 = vector.shape_cast %select_n3A_149 : vector<16xi32> to vector<16xi32>
    tpu.vector_store %arg6[%swap3A_150], %swap3A_153 {strides = array<i32>} : memref<128xi32, #tpu.memory_space<vmem>>, vector<16xi32>,
    %add3A_154 = arith.constant 48 : i32
    %add3A_155 = vector.broadcast %add3A_154 : i32 to vector<16xi32>
    %add3A_156 = arith.addi %iota3A, %add3A_155 : vector<16xi32>
    %lt3A_157 = arith.constant 64 : i32
    %lt3A_158 = vector.broadcast %lt3A_157 : i32 to vector<16xi32>
    %lt3A_159 = arith.cmpi slt, %add3A_156, %lt3A_158 : vector<16xi32>
    %mul3A_160 = arith.constant 2 : i32
    %mul3A_161 = vector.broadcast %mul3A_160 : i32 to vector<16xi32>
    %mul3A_162 = arith.muli %mul3A_161, %add3A_156 : vector<16xi32>
    %add3A_163 = vector.broadcast %add3A_75 : i32 to vector<16xi32>
    %add3A_164 = arith.addi %add3A_163, %mul3A_162 : vector<16xi32>
    %sub3A_165 = arith.constant 64 : i32
    %sub3A_166 = vector.broadcast %sub3A_165 : i32 to vector<16xi32>
    %sub3A_167 = arith.subi %add3A_156, %sub3A_166 : vector<16xi32>
    %mul3A_168 = arith.constant 2 : i32
    %mul3A_169 = vector.broadcast %mul3A_168 : i32 to vector<16xi32>
    %mul3A_170 = arith.muli %mul3A_169, %sub3A_167 : vector<16xi32>
    %add3A_171 = vector.broadcast %add3A_75 : i32 to vector<16xi32>
    %add3A_172 = arith.addi %add3A_171, %mul3A_170 : vector<16xi32>
    %add3A_173 = arith.constant 1 : i32
    %add3A_174 = vector.broadcast %add3A_173 : i32 to vector<16xi32>
    %add3A_175 = arith.addi %add3A_172, %add3A_174 : vector<16xi32>
    %select_n3A_176 = arith.select %lt3A_159, %add3A_164, %add3A_175 : vector<16xi1>, vector<16xi32>
    %swap3A_177 = arith.constant 48 : index
    %swap3A_178 = tpu.vector_load %arg6[%swap3A_177] {strides = array<i32>} : memref<128xi32, #tpu.memory_space<vmem>>, vector<16xi32>,
    %swap3A_179 = vector.shape_cast %swap3A_178 : vector<16xi32> to vector<16xi32>
    %swap3A_180 = vector.shape_cast %select_n3A_176 : vector<16xi32> to vector<16xi32>
    tpu.vector_store %arg6[%swap3A_177], %swap3A_180 {strides = array<i32>} : memref<128xi32, #tpu.memory_space<vmem>>, vector<16xi32>,
    %add3A_181 = arith.constant 64 : i32
    %add3A_182 = vector.broadcast %add3A_181 : i32 to vector<16xi32>
    %add3A_183 = arith.addi %iota3A, %add3A_182 : vector<16xi32>
    %lt3A_184 = arith.constant 64 : i32
    %lt3A_185 = vector.broadcast %lt3A_184 : i32 to vector<16xi32>
    %lt3A_186 = arith.cmpi slt, %add3A_183, %lt3A_185 : vector<16xi32>
    %mul3A_187 = arith.constant 2 : i32
    %mul3A_188 = vector.broadcast %mul3A_187 : i32 to vector<16xi32>
    %mul3A_189 = arith.muli %mul3A_188, %add3A_183 : vector<16xi32>
    %add3A_190 = vector.broadcast %add3A_75 : i32 to vector<16xi32>
    %add3A_191 = arith.addi %add3A_190, %mul3A_189 : vector<16xi32>
    %sub3A_192 = arith.constant 64 : i32
    %sub3A_193 = vector.broadcast %sub3A_192 : i32 to vector<16xi32>
    %sub3A_194 = arith.subi %add3A_183, %sub3A_193 : vector<16xi32>
    %mul3A_195 = arith.constant 2 : i32
    %mul3A_196 = vector.broadcast %mul3A_195 : i32 to vector<16xi32>
    %mul3A_197 = arith.muli %mul3A_196, %sub3A_194 : vector<16xi32>
    %add3A_198 = vector.broadcast %add3A_75 : i32 to vector<16xi32>
    %add3A_199 = arith.addi %add3A_198, %mul3A_197 : vector<16xi32>
    %add3A_200 = arith.constant 1 : i32
    %add3A_201 = vector.broadcast %add3A_200 : i32 to vector<16xi32>
    %add3A_202 = arith.addi %add3A_199, %add3A_201 : vector<16xi32>
    %select_n3A_203 = arith.select %lt3A_186, %add3A_191, %add3A_202 : vector<16xi1>, vector<16xi32>
    %swap3A_204 = arith.constant 64 : index
    %swap3A_205 = tpu.vector_load %arg6[%swap3A_204] {strides = array<i32>} : memref<128xi32, #tpu.memory_space<vmem>>, vector<16xi32>,
    %swap3A_206 = vector.shape_cast %swap3A_205 : vector<16xi32> to vector<16xi32>
    %swap3A_207 = vector.shape_cast %select_n3A_203 : vector<16xi32> to vector<16xi32>
    tpu.vector_store %arg6[%swap3A_204], %swap3A_207 {strides = array<i32>} : memref<128xi32, #tpu.memory_space<vmem>>, vector<16xi32>,
    %add3A_208 = arith.constant 80 : i32
    %add3A_209 = vector.broadcast %add3A_208 : i32 to vector<16xi32>
    %add3A_210 = arith.addi %iota3A, %add3A_209 : vector<16xi32>
    %lt3A_211 = arith.constant 64 : i32
    %lt3A_212 = vector.broadcast %lt3A_211 : i32 to vector<16xi32>
    %lt3A_213 = arith.cmpi slt, %add3A_210, %lt3A_212 : vector<16xi32>
    %mul3A_214 = arith.constant 2 : i32
    %mul3A_215 = vector.broadcast %mul3A_214 : i32 to vector<16xi32>
    %mul3A_216 = arith.muli %mul3A_215, %add3A_210 : vector<16xi32>
    %add3A_217 = vector.broadcast %add3A_75 : i32 to vector<16xi32>
    %add3A_218 = arith.addi %add3A_217, %mul3A_216 : vector<16xi32>
    %sub3A_219 = arith.constant 64 : i32
    %sub3A_220 = vector.broadcast %sub3A_219 : i32 to vector<16xi32>
    %sub3A_221 = arith.subi %add3A_210, %sub3A_220 : vector<16xi32>
    %mul3A_222 = arith.constant 2 : i32
    %mul3A_223 = vector.broadcast %mul3A_222 : i32 to vector<16xi32>
    %mul3A_224 = arith.muli %mul3A_223, %sub3A_221 : vector<16xi32>
    %add3A_225 = vector.broadcast %add3A_75 : i32 to vector<16xi32>
    %add3A_226 = arith.addi %add3A_225, %mul3A_224 : vector<16xi32>
    %add3A_227 = arith.constant 1 : i32
    %add3A_228 = vector.broadcast %add3A_227 : i32 to vector<16xi32>
    %add3A_229 = arith.addi %add3A_226, %add3A_228 : vector<16xi32>
    %select_n3A_230 = arith.select %lt3A_213, %add3A_218, %add3A_229 : vector<16xi1>, vector<16xi32>
    %swap3A_231 = arith.constant 80 : index
    %swap3A_232 = tpu.vector_load %arg6[%swap3A_231] {strides = array<i32>} : memref<128xi32, #tpu.memory_space<vmem>>, vector<16xi32>,
    %swap3A_233 = vector.shape_cast %swap3A_232 : vector<16xi32> to vector<16xi32>
    %swap3A_234 = vector.shape_cast %select_n3A_230 : vector<16xi32> to vector<16xi32>
    tpu.vector_store %arg6[%swap3A_231], %swap3A_234 {strides = array<i32>} : memref<128xi32, #tpu.memory_space<vmem>>, vector<16xi32>,
    %add3A_235 = arith.constant 96 : i32
    %add3A_236 = vector.broadcast %add3A_235 : i32 to vector<16xi32>
    %add3A_237 = arith.addi %iota3A, %add3A_236 : vector<16xi32>
    %lt3A_238 = arith.constant 64 : i32
    %lt3A_239 = vector.broadcast %lt3A_238 : i32 to vector<16xi32>
    %lt3A_240 = arith.cmpi slt, %add3A_237, %lt3A_239 : vector<16xi32>
    %mul3A_241 = arith.constant 2 : i32
    %mul3A_242 = vector.broadcast %mul3A_241 : i32 to vector<16xi32>
    %mul3A_243 = arith.muli %mul3A_242, %add3A_237 : vector<16xi32>
    %add3A_244 = vector.broadcast %add3A_75 : i32 to vector<16xi32>
    %add3A_245 = arith.addi %add3A_244, %mul3A_243 : vector<16xi32>
    %sub3A_246 = arith.constant 64 : i32
    %sub3A_247 = vector.broadcast %sub3A_246 : i32 to vector<16xi32>
    %sub3A_248 = arith.subi %add3A_237, %sub3A_247 : vector<16xi32>
    %mul3A_249 = arith.constant 2 : i32
    %mul3A_250 = vector.broadcast %mul3A_249 : i32 to vector<16xi32>
    %mul3A_251 = arith.muli %mul3A_250, %sub3A_248 : vector<16xi32>
    %add3A_252 = vector.broadcast %add3A_75 : i32 to vector<16xi32>
    %add3A_253 = arith.addi %add3A_252, %mul3A_251 : vector<16xi32>
    %add3A_254 = arith.constant 1 : i32
    %add3A_255 = vector.broadcast %add3A_254 : i32 to vector<16xi32>
    %add3A_256 = arith.addi %add3A_253, %add3A_255 : vector<16xi32>
    %select_n3A_257 = arith.select %lt3A_240, %add3A_245, %add3A_256 : vector<16xi1>, vector<16xi32>
    %swap3A_258 = arith.constant 96 : index
    %swap3A_259 = tpu.vector_load %arg6[%swap3A_258] {strides = array<i32>} : memref<128xi32, #tpu.memory_space<vmem>>, vector<16xi32>,
    %swap3A_260 = vector.shape_cast %swap3A_259 : vector<16xi32> to vector<16xi32>
    %swap3A_261 = vector.shape_cast %select_n3A_257 : vector<16xi32> to vector<16xi32>
    tpu.vector_store %arg6[%swap3A_258], %swap3A_261 {strides = array<i32>} : memref<128xi32, #tpu.memory_space<vmem>>, vector<16xi32>,
    %add3A_262 = arith.constant 112 : i32
    %add3A_263 = vector.broadcast %add3A_262 : i32 to vector<16xi32>
    %add3A_264 = arith.addi %iota3A, %add3A_263 : vector<16xi32>
    %lt3A_265 = arith.constant 64 : i32
    %lt3A_266 = vector.broadcast %lt3A_265 : i32 to vector<16xi32>
    %lt3A_267 = arith.cmpi slt, %add3A_264, %lt3A_266 : vector<16xi32>
    %mul3A_268 = arith.constant 2 : i32
    %mul3A_269 = vector.broadcast %mul3A_268 : i32 to vector<16xi32>
    %mul3A_270 = arith.muli %mul3A_269, %add3A_264 : vector<16xi32>
    %add3A_271 = vector.broadcast %add3A_75 : i32 to vector<16xi32>
    %add3A_272 = arith.addi %add3A_271, %mul3A_270 : vector<16xi32>
    %sub3A_273 = arith.constant 64 : i32
    %sub3A_274 = vector.broadcast %sub3A_273 : i32 to vector<16xi32>
    %sub3A_275 = arith.subi %add3A_264, %sub3A_274 : vector<16xi32>
    %mul3A_276 = arith.constant 2 : i32
    %mul3A_277 = vector.broadcast %mul3A_276 : i32 to vector<16xi32>
    %mul3A_278 = arith.muli %mul3A_277, %sub3A_275 : vector<16xi32>
    %add3A_279 = vector.broadcast %add3A_75 : i32 to vector<16xi32>
    %add3A_280 = arith.addi %add3A_279, %mul3A_278 : vector<16xi32>
    %add3A_281 = arith.constant 1 : i32
    %add3A_282 = vector.broadcast %add3A_281 : i32 to vector<16xi32>
    %add3A_283 = arith.addi %add3A_280, %add3A_282 : vector<16xi32>
    %select_n3A_284 = arith.select %lt3A_267, %add3A_272, %add3A_283 : vector<16xi1>, vector<16xi32>
    %swap3A_285 = arith.constant 112 : index
    %swap3A_286 = tpu.vector_load %arg6[%swap3A_285] {strides = array<i32>} : memref<128xi32, #tpu.memory_space<vmem>>, vector<16xi32>,
    %swap3A_287 = vector.shape_cast %swap3A_286 : vector<16xi32> to vector<16xi32>
    %swap3A_288 = vector.shape_cast %select_n3A_284 : vector<16xi32> to vector<16xi32>
    tpu.vector_store %arg6[%swap3A_285], %swap3A_288 {strides = array<i32>} : memref<128xi32, #tpu.memory_space<vmem>>, vector<16xi32>,
    %dma_start3A_289 = arith.constant 0 : i32
    %dma_start3A_290 = arith.constant 0 : i32
    %dma_start3A_291 = tpu.memref_slice %arg4[%dma_start3A_289, %dma_start3A_290] : memref<200704x64xf32, #tpu.memory_space<hbm>> -> memref<200704x64xf32, #tpu.memory_space<hbm>>
    tpu.enqueue_indirect_dma source(%arg7 : memref<128x64xf32, #tpu.memory_space<vmem>>) target(%dma_start3A_291 : memref<200704x64xf32, #tpu.memory_space<hbm>>) offsets(%arg6 : memref<128xi32, #tpu.memory_space<vmem>>) semaphore(%arg11 : memref<!tpu.dma_semaphore, #tpu.memory_space<semaphore_mem>>)
    %dma_wait3A_292 = arith.constant 0 : i32
    %dma_wait3A_293 = arith.constant 0 : i32
    %dma_wait3A_294 = tpu.memref_slice %arg4[%dma_wait3A_292, %dma_wait3A_293] : memref<200704x64xf32, #tpu.memory_space<hbm>> -> memref<200704x64xf32, #tpu.memory_space<hbm>>
    tpu.wait_indirect_dma semaphore(%arg11 : memref<!tpu.dma_semaphore, #tpu.memory_space<semaphore_mem>>) src(%arg7 : memref<128x64xf32, #tpu.memory_space<vmem>>) dst(%dma_wait3A_294 : memref<200704x64xf32, #tpu.memory_space<hbm>>)
    return
  }
}

module attributes {stable_mosaic.version = 14 : i64} {
  func.func @_tr_body(%arg0: i32, %arg1: memref<64x1024xf32, #tpu.memory_space<vmem>>, %arg2: memref<512x128xf32, #tpu.memory_space<vmem>>, %arg3: memref<64x1024xf32, #tpu.memory_space<vmem>>) attributes {dimension_semantics = [#tpu.dimension_semantics<arbitrary>], iteration_bounds = array<i64: 196>, scalar_prefetch = 0 : i64, scratch_operands = 0 : i64, tpu.core_type = #tpu.core_type<tc>, window_params = [{transform_indices = @transform_0, window_bounds = array<i64: 64, 1024>}, {transform_indices = @transform_1, window_bounds = array<i64: 512, 128>}, {transform_indices = @transform_2, window_bounds = array<i64: 64, 1024>}]} {
    %get3A = arith.constant 0 : index
    %get3A_0 = arith.constant 0 : index
    %get3A_1 = vector.load %arg2[%get3A, %get3A_0] : memref<512x128xf32, #tpu.memory_space<vmem>>, vector<512x128xf32>
    %transpose3A = tpu.transpose %get3A_1, [1, 0] : vector<512x128xf32> -> vector<128x512xf32>
    %eq3A = arith.constant 0 : i32
    %eq3A_2 = arith.cmpi eq, %arg0, %eq3A : i32
    %convert_element_type3A = arith.extui %eq3A_2 : i1 to i32
    %cond3A = arith.constant 0 : i32
    %cond3A_3 = arith.cmpi ne, %convert_element_type3A, %cond3A : i32
    scf.if %cond3A_3 {
      %iota3A = tpu.iota {dimensions = array<i32: 1>} : vector<64x1024xi32>
      %slice3A = vector.extract_strided_slice %transpose3A {offsets = [0, 0], sizes = [64, 512], strides = [1, 1]} : vector<128x512xf32> to vector<64x512xf32>
      %slice3A_8 = vector.extract_strided_slice %transpose3A {offsets = [64, 0], sizes = [64, 512], strides = [1, 1]} : vector<128x512xf32> to vector<64x512xf32>
      %concatenate3A = tpu.concatenate %slice3A, %slice3A_8 in 1 : vector<64x512xf32>, vector<64x512xf32> -> vector<64x1024xf32>
      %lt3A = arith.constant 672 : i32
      %lt3A_9 = vector.broadcast %lt3A : i32 to vector<64x1024xi32>
      %lt3A_10 = arith.cmpi slt, %iota3A, %lt3A_9 : vector<64x1024xi32>
      %get3A_11 = arith.constant 0 : index
      %get3A_12 = arith.constant 0 : index
      %get3A_13 = vector.load %arg1[%get3A_11, %get3A_12] : memref<64x1024xf32, #tpu.memory_space<vmem>>, vector<64x1024xf32>
      %select_n3A = arith.select %lt3A_10, %get3A_13, %concatenate3A : vector<64x1024xi1>, vector<64x1024xf32>
      %swap3A = arith.constant 0 : index
      %swap3A_14 = arith.constant 0 : index
      %swap3A_15 = vector.load %arg3[%swap3A, %swap3A_14] : memref<64x1024xf32, #tpu.memory_space<vmem>>, vector<64x1024xf32>
      tpu.vector_store %arg3[%swap3A, %swap3A_14], %select_n3A {strides = array<i32>} : memref<64x1024xf32, #tpu.memory_space<vmem>>, vector<64x1024xf32>,
    } else {
    }
    %gt3A = arith.constant 0 : i32
    %gt3A_4 = arith.cmpi sgt, %arg0, %gt3A : i32
    %convert_element_type3A_5 = arith.extui %gt3A_4 : i1 to i32
    %cond3A_6 = arith.constant 0 : i32
    %cond3A_7 = arith.cmpi ne, %convert_element_type3A_5, %cond3A_6 : i32
    scf.if %cond3A_7 {
      %slice3A = vector.extract_strided_slice %transpose3A {offsets = [0, 0], sizes = [64, 512], strides = [1, 1]} : vector<128x512xf32> to vector<64x512xf32>
      %swap3A = arith.constant 0 : index
      %swap3A_8 = arith.constant 0 : index
      %swap3A_9 = vector.load %arg3[%swap3A, %swap3A_8] : memref<64x1024xf32, #tpu.memory_space<vmem>>, vector<64x512xf32>
      tpu.vector_store %arg3[%swap3A, %swap3A_8], %slice3A {strides = array<i32>} : memref<64x1024xf32, #tpu.memory_space<vmem>>, vector<64x512xf32>,
      %slice3A_10 = vector.extract_strided_slice %transpose3A {offsets = [64, 0], sizes = [64, 512], strides = [1, 1]} : vector<128x512xf32> to vector<64x512xf32>
      %swap3A_11 = arith.constant 0 : index
      %swap3A_12 = arith.constant 512 : index
      %swap3A_13 = vector.load %arg3[%swap3A_11, %swap3A_12] : memref<64x1024xf32, #tpu.memory_space<vmem>>, vector<64x512xf32>
      tpu.vector_store %arg3[%swap3A_11, %swap3A_12], %slice3A_10 {strides = array<i32>} : memref<64x1024xf32, #tpu.memory_space<vmem>>, vector<64x512xf32>,
    } else {
    }
    return
  }
  func.func @transform_0(%arg0: i32) -> (i32, i32) {
    %c0_i32 = arith.constant 0 : i32
    %c97_i32 = arith.constant 97 : i32
    %c0_i32_0 = arith.constant 0 : i32
    return %c0_i32, %c97_i32 : i32, i32
  }
  func.func @transform_1(%arg0: i32) -> (i32, i32) {
    %c0_i32 = arith.constant 0 : i32
    %c0_i32_0 = arith.constant 0 : i32
    return %arg0, %c0_i32 : i32, i32
  }
  func.func @transform_2(%arg0: i32) -> (i32, i32) {
    %add3A = arith.constant 97 : i32
    %add3A_0 = arith.addi %arg0, %add3A : i32
    %c0_i32 = arith.constant 0 : i32
    %c0_i32_1 = arith.constant 0 : i32
    return %c0_i32, %add3A_0 : i32, i32
  }
}

module attributes {stable_mosaic.version = 14 : i64} {
  func.func @_mm_body(%arg0: i32, %arg1: memref<32x1024xf32, #tpu.memory_space<vmem>>, %arg2: memref<64x32xf32, #tpu.memory_space<vmem>>, %arg3: memref<64x1xf32, #tpu.memory_space<vmem>>, %arg4: memref<64x1024xf32, #tpu.memory_space<vmem>>) attributes {dimension_semantics = [#tpu.dimension_semantics<arbitrary>], iteration_bounds = array<i64: 98>, scalar_prefetch = 0 : i64, scratch_operands = 0 : i64, tpu.core_type = #tpu.core_type<tc>, window_params = [{transform_indices = @transform_0, window_bounds = array<i64: 32, 1024>}, {pipeline_mode = #tpu.pipeline_mode<synchronous>, transform_indices = @transform_1, window_bounds = array<i64: 64, 32>}, {pipeline_mode = #tpu.pipeline_mode<synchronous>, transform_indices = @transform_2, window_bounds = array<i64: 64, 1>}, {transform_indices = @transform_3, window_bounds = array<i64: 64, 1024>}]} {
    %get3A = arith.constant 0 : index
    %get3A_0 = arith.constant 0 : index
    %get3A_1 = vector.load %arg2[%get3A, %get3A_0] : memref<64x32xf32, #tpu.memory_space<vmem>>, vector<64x32xf32>
    %get3A_2 = arith.constant 0 : index
    %get3A_3 = arith.constant 0 : index
    %get3A_4 = vector.load %arg1[%get3A_2, %get3A_3] : memref<32x1024xf32, #tpu.memory_space<vmem>>, vector<32x1024xf32>
    %dot_general3A = arith.constant dense<0.000000e+00> : vector<64x1024xf32>
    %dot_general3A_5 = tpu.matmul %get3A_1, %get3A_4, %dot_general3A {dimension_numbers = #tpu.dot_dimension_numbers<[1], [0], [0], [1], [0, 0, 1, 1], [], []>, transpose_lhs_hint = false} : vector<64x32xf32>, vector<32x1024xf32>, vector<64x1024xf32> -> vector<64x1024xf32>
    %get3A_6 = arith.constant 0 : index
    %get3A_7 = arith.constant 0 : index
    %get3A_8 = vector.load %arg3[%get3A_6, %get3A_7] : memref<64x1xf32, #tpu.memory_space<vmem>>, vector<64x1xf32>
    %add3A = vector.broadcast %get3A_8 : vector<64x1xf32> to vector<64x1024xf32>
    %add3A_9 = arith.addf %dot_general3A_5, %add3A : vector<64x1024xf32>
    %swap3A = arith.constant 0 : index
    %swap3A_10 = arith.constant 0 : index
    %swap3A_11 = vector.load %arg4[%swap3A, %swap3A_10] : memref<64x1024xf32, #tpu.memory_space<vmem>>, vector<64x1024xf32>
    tpu.vector_store %arg4[%swap3A, %swap3A_10], %add3A_9 {strides = array<i32>} : memref<64x1024xf32, #tpu.memory_space<vmem>>, vector<64x1024xf32>,
    return
  }
  func.func @transform_0(%arg0: i32) -> (i32, i32) {
    %c0_i32 = arith.constant 0 : i32
    %c0_i32_0 = arith.constant 0 : i32
    return %c0_i32, %arg0 : i32, i32
  }
  func.func @transform_1(%arg0: i32) -> (i32, i32) {
    %c0_i32 = arith.constant 0 : i32
    %c0_i32_0 = arith.constant 0 : i32
    %c0_i32_1 = arith.constant 0 : i32
    return %c0_i32, %c0_i32_0 : i32, i32
  }
  func.func @transform_2(%arg0: i32) -> (i32, i32) {
    %c0_i32 = arith.constant 0 : i32
    %c0_i32_0 = arith.constant 0 : i32
    %c0_i32_1 = arith.constant 0 : i32
    return %c0_i32, %c0_i32_0 : i32, i32
  }
  func.func @transform_3(%arg0: i32) -> (i32, i32) {
    %c0_i32 = arith.constant 0 : i32
    %c0_i32_0 = arith.constant 0 : i32
    return %c0_i32, %arg0 : i32, i32
  }
}

</mosaic_0001>

<sc_bundles>
// kernel: kernel.5.cloned.1.call-start
scs
__scs_entry_jumppad:
0x0: {  	(pc) =	sbr.rel $0x88, $3  }
0x1: {  	(tag) =	ssettag $0x0;
	lr =	simm.s32 $0x1  }
0x2: {  	[smem:$0x3F9A] =	sst lr;
	_ =	strace $0xD0000000  }
0x3: {  	_ = 	snop  }
0x4: {  	_ = 	snop  }
0x5: {  	_ = 	snop  }
0x6: {  	_ = 	snop  }
0x7: {  	_ = 	snop  }
__scs_overlays_trampoline_lowered:
0x8: {  	[smem:$0x3FA9] =	sst s0  }
0x9: {  	[smem:$0x3FAA] =	sst s1  }
0xa: {  	[smem:$0x3FAB] =	sst s2  }
0xb: {  	[smem:$0x3FAC] =	sst s3  }
0xc: {  	[smem:$0x3FAD] =	sst s4  }
0xd: {  	[smem:$0x3FAE] =	sst s5  }
0xe: {  	[smem:$0x3FAF] =	sst s6  }
0xf: {  	[smem:$0x3FB0] =	sst s7  }
0x10: {  	[smem:$0x3FB1] =	sst s8  }
0x11: {  	[smem:$0x3FB2] =	sst s9;
	s0 =	simm.s32 @!p0 $0x0  }
0x12: {  	s1 =	sld [smem:$0x3F98];
	s0 =	simm.s32 @p0 $0x1  }
0x13: {  	[smem:$0x3FB3] =	sst s0;
	s0 =	simm.s32 @!p1 $0x0  }
0x14: {  	s2 =	sld [smem:$0x3F97];
	s0 =	simm.s32 @p1 $0x1  }
0x15: {  	[smem:$0x3FB4] =	sst s0;
	s0 =	simm.s32 @!p2 $0x0  }
0x16: {  	s3 =	sld [smem:$0x3FDB];
	s0 =	simm.s32 @p2 $0x1  }
0x17: {  	s4 =	simm.s32 $0x1BF5;
	[smem:$0x3FB6] =	sst s0  }
0x18: {  	s0 =	sld [smem:$0x3F99];
	_ =	swait.ge [sflag:s4], $0x0  }
0x19: {  	s7 =	sld [smem:$0x3F9A]  }
0x1a: {  	s8 =	sadd.s32 $0xFFFFE003, lr  }
0x1b: {  	s9 =	sadd.s32 $0xFFFFFEF7, lr;
	s5 =	simm.s32 $0xFFFFFFFF;
	p2 =	slt.u32 s8, $0xFFFFF086  }
0x1c: {  	p1 =	slt.u32 s9, $0xF7A;
	s5 =	simm.s32 @!p2 $0x0  }
0x1d: {  	s5 =	simm.s32 @p1 $0x1;
	p0 =	seq.s32 s7, s2  }
0x1e: {  	s7 =	smul.u32 @!p0 $0xF7A, s2;
	p2 =	seq.s32 @!p0 s5, $0x0  }
0x1f: {  	s9 =	smul.u32 $0xF7A, s1;
	s8 =	simm.s32 @!p0 $0x1BF5;
	p2 =	por !p2, p0  }
0x20: {  	[sflag:s8] =	ssyncset.s32 @!p0 $0xFFFFF086;
	s6 =	sadd.s32 @!p0 s3, s7;
	s7 =	simm.s32 @!p0 $0x108  }
0x21: {  	s3 =	sadd.s32 s3, s9;
	s6 =	sadd.s32 @!p0 $0x88, s6;
	s7 =	simm.s32 @p2 $0x1082  }
0x22: {  	[simem:s7], [sflag:s8] =	dma.local @!p0 [hbm:s6], $0xF7A  }
0x23: {  	s9 =	sor.u32 $0xD0000000, s2;
	s6 =	simm.s32 $0x108;
	_ =	swait.ge @!p0 [sflag:s8], $0x0  }
0x24: {  	s3 =	sadd.s32 $0x88, s3;
	s6 =	simm.s32 @!p1 $0x1082;
	[sflag:s4] =	ssyncset.s32 $0xFFFFF086  }
0x25: {  	[simem:s6], [sflag:s4] =	dma.local [hbm:s3], $0xF7A  }
0x26: {  	[smem:$0x3F9A] =	sst s1;
	(tag) =	ssettag s2;
	_ =	strace s9  }
0x27: {  	s1 =	sld [smem:$0x3FAA]  }
0x28: {  	s2 =	sld [smem:$0x3FAB]  }
0x29: {  	s4 =	sld [smem:$0x3FAD]  }
0x2a: {  	p0 =	seq.s32 s5, $0x0;
	s5 =	sld [smem:$0x3FAE]  }
0x2b: {  	s6 =	sld [smem:$0x3FAF]  }
0x2c: {  	s7 =	sld [smem:$0x3FB0]  }
0x2d: {  	s3 =	simm.s32 $0x108;
	s8 =	sld [smem:$0x3FB1]  }
0x2e: {  	s3 =	simm.s32 @!p0 $0x1082;
	s9 =	sld [smem:$0x3FB2]  }
0x2f: {  	lr =	sadd.s32 s0, s3;
	s0 =	sld [smem:$0x3FA9]  }
0x30: {  	s3 =	sld [smem:$0x3FAC]  }
0x31: {  	[smem:$0x3FB5] =	sst s10  }
0x32: {  	s10 =	sld [smem:$0x3FB3];
	_ =	sdelay $0x3  }
0x33: {  	p0 =	seq.s32 s10, $0x1;
	s10 =	sld [smem:$0x3FB5];
	_ =	sdelay $0x3  }
0x34: {  	[smem:$0x3FB5] =	sst s10  }
0x35: {  	s10 =	sld [smem:$0x3FB4];
	_ =	sdelay $0x3  }
0x36: {  	p1 =	seq.s32 s10, $0x1;
	s10 =	sld [smem:$0x3FB5];
	_ =	sdelay $0x3  }
0x37: {  	[smem:$0x3FB5] =	sst s10  }
0x38: {  	s10 =	sld [smem:$0x3FB6]  }
0x39: {  	_ = 	snop;
	(pc) =	sbr.ind lr, $3  }
0x3a: {  	_ = 	snop  }
0x3b: {  	_ = 	snop  }
0x3c: {  	p2 =	seq.s32 s10, $0x1;
	s10 =	sld [smem:$0x3FB5]  }
0x3d: {  	_ =	shalt  }
0x3e: {  	_ =	shalt  }
0x3f: {  	_ =	shalt  }
0x40: {  	_ =	shalt  }
0x41: {  	_ =	shalt  }
0x42: {  	_ =	shalt  }
0x43: {  	_ =	shalt  }
0x44: {  	_ =	shalt  }
0x45: {  	_ =	shalt  }
0x46: {  	_ =	shalt  }
0x47: {  	_ =	shalt  }
0x48: {  	_ =	shalt  }
0x49: {  	_ =	shalt  }
0x4a: {  	_ =	shalt  }
0x4b: {  	_ =	shalt  }
0x4c: {  	_ =	shalt  }
0x4d: {  	_ =	shalt  }
0x4e: {  	_ =	shalt  }
0x4f: {  	_ =	shalt  }
0x50: {  	_ =	shalt  }
0x51: {  	_ =	shalt  }
0x52: {  	_ =	shalt  }
0x53: {  	_ =	shalt  }
0x54: {  	_ =	shalt  }
0x55: {  	_ =	shalt  }
0x56: {  	_ =	shalt  }
0x57: {  	_ =	shalt  }
0x58: {  	_ =	shalt  }
0x59: {  	_ =	shalt  }
0x5a: {  	_ =	shalt  }
0x5b: {  	_ =	shalt  }
0x5c: {  	_ =	shalt  }
0x5d: {  	_ =	shalt  }
0x5e: {  	_ =	shalt  }
0x5f: {  	_ =	shalt  }
0x60: {  	_ =	shalt  }
0x61: {  	_ =	shalt  }
0x62: {  	_ =	shalt  }
0x63: {  	_ =	shalt  }
0x64: {  	_ =	shalt  }
0x65: {  	_ =	shalt  }
0x66: {  	_ =	shalt  }
0x67: {  	_ =	shalt  }
0x68: {  	_ =	shalt  }
0x69: {  	_ =	shalt  }
0x6a: {  	_ =	shalt  }
0x6b: {  	_ =	shalt  }
0x6c: {  	_ =	shalt  }
0x6d: {  	_ =	shalt  }
0x6e: {  	_ =	shalt  }
0x6f: {  	_ =	shalt  }
0x70: {  	_ =	shalt  }
0x71: {  	_ =	shalt  }
0x72: {  	_ =	shalt  }
0x73: {  	_ =	shalt  }
0x74: {  	_ =	shalt  }
0x75: {  	_ =	shalt  }
0x76: {  	_ =	shalt  }
0x77: {  	_ =	shalt  }
0x78: {  	_ =	shalt  }
0x79: {  	_ =	shalt  }
0x7a: {  	_ =	shalt  }
0x7b: {  	_ =	shalt  }
0x7c: {  	_ =	shalt  }
0x7d: {  	_ =	shalt  }
0x7e: {  	_ =	shalt  }
0x7f: {  	_ =	shalt  }
0x80: {  	_ =	shalt  }
0x81: {  	_ =	shalt  }
0x82: {  	_ =	shalt  }
0x83: {  	_ =	shalt  }
0x84: {  	_ =	shalt  }
0x85: {  	_ =	shalt  }
0x86: {  	_ =	shalt  }
0x87: {  	_ =	shalt  }
.Lfunc_end0:
.L_simem_size_0:
called_computation_lowered:
.L_overlay_start_0:
0x88: {  	s2 =	sld [smem:$0x3FD9]  }
0x89: {  	s3 =	sld [smem:$0x3FFE];
	_ =	sdelay $0x1  }
0x8a: {  	s1 =	srdreg.scid  }
0x8b: {  	s0 =	sand.u32 $0x1, s1  }
0x8c: {  	s16 =	sshll.u32 s0, $0xA;
	s2 =	sadd.s32 s3, s2  }
0x8d: {  	s2 =	sadd.s32 s2, s16  }
0x8e: {  	[smem:$0x3FC1] =	sst s2  }
0x8f: {  	_ = 	snop  }
0x90: {  	(tm) =	ssettm $0x1  }
0x91: {  	s17 =	sld [smem:$0x3FFB];
	_ =	sdelay $0x3  }
0x92: {  	_ =	strace s17  }
0x93: {  	s2 =	sld [smem:$0x3FFC];
	_ =	sdelay $0x3  }
0x94: {  	_ =	strace s2  }
0x95: {  	s2 =	sld [smem:$0x3FFD];
	_ =	sdelay $0x3  }
0x96: {  	_ =	strace s2  }
0x97: {  	_ =	strace $0x8FFFFFFF  }
0x98: {  	s18 =	sld [smem:$0x3FDB];
	_ =	sdelay $0x1  }
0x99: {  	s19 =	simm.s32 $_scs_section_size  }
0x9a: {  	s4 =	simm.s32 $_size__tile_overlayer_lowered;
	s5 =	simm.s32 $_tile_overlayer_lowered  }
0x9b: {  	s22 =	simm.s32 $0x1BFF;
	s21 =	sshll.u32 s5, $0x1;
	s2 =	sadd.s32 s19, s18  }
0x9c: {  	s6 =	simm.s32 $0x0;
	s20 =	sshll.u32 s4, $0x1;
	s4 =	sadd.s32 s21, s2  }
0x9d: {  	[timem:s6], [sflag:s22] =	dma.local [hbm:s4], s20  }
0x9e: {  	_ =	swait.ge [sflag:s22], s20  }
0x9f: {  	s3 =	ssub.s32 $0x0, s20;
	[sflag:s22] =	ssyncset.done $0x0  }
0xa0: {  	[sflag:s22] =	ssyncadd.s32 s3;
	_ =	sdelay $0x1  }
0xa1: {  	s23 =	simm.s32 $0x1B8B  }
0xa2: {  	_ =	swait.ge [sflag:s23], $0x1  }
0xa3: {  	[sflag:s23] =	ssyncset.done $0x0  }
0xa4: {  	s25 =	simm.s32 $0x1B8E;
	s24 =	sld [smem:$0x3FFE];
	[sflag:s23] =	ssyncadd.s32 $0xFFFFFFFF  }
0xa5: {  	s26 =	simm.s32 $execute0_lowered;
	[smem:$0x3FD2] =	sst s25  }
0xa6: {  	s4 =	sshll.u32 s26, $0x1;
	_ =	strace $0x80000046;
	[dreg:$0x1] =	wrdreg $0xFFFFFFFF  }
0xa7: {  	s28 =	simm.s32 $_size_execute0_lowered;
	s2 =	sadd.s32 s2, s4;
	[dreg:$0x0] =	wrdreg $0x0  }
0xa8: {  	s4 =	sshll.u32 s28, $0x1;
	[dreg:$0x2] =	wrdreg s2  }
0xa9: {  	[dreg:$0x3] =	wrdreg s4  }
0xaa: {  	[dreg:$0x4] =	wrdreg $0xC0  }
0xab: {  	_ =	task [dreg:s6], $0x5FFFF  }
0xac: {  	[dreg:$0x1] =	wrdreg $0xFFFFFFFF  }
0xad: {  	[dreg:$0x0] =	wrdreg $0x60  }
0xae: {  	[dreg:$0x2] =	wrdreg s24  }
0xaf: {  	[dreg:$0x3] =	wrdreg $0x9  }
0xb0: {  	_ =	task.clear_ibuf [dreg:s6], $0x4FFFF;
	_ =	strace $0x90000046  }
0xb1: {  	s29 =	simm.s32 $0x9;
	_ =	strace $0x80000048  }
0xb2: {  	_ =	swait.ge [sflag:s29], $0x1  }
0xb3: {  	[sflag:s29] =	ssyncadd.s32 $0xFFFFFFFF  }
0xb4: {  	_ =	strace $0x90000048  }
0xb5: {  	_ =	sfence  }
0xb6: {  	s30 =	sld [smem:$0x0];
	_ =	sdelay $0x2  }
0xb7: {  	s31 =	sshll.u32 s1, $0xD;
	s1 =	sshrl.u32 s1, $0x2  }
0xb8: {  	s3 =	sand.u32 $0x4000, s31;
	s1 =	sadd.s32 s1, s30  }
0xb9: {  	s0 =	sor.u32 s3, s0;
	s1 =	sshll.u32 s1, $0x11  }
0xba: {  	s0 =	sor.u32 s1, s0  }
0xbb: {  	s0 =	sadd.s32 $0x8F2B, s0  }
0xbc: {  	[sflag:s0] =	ssyncadd.remote.s32 $0x1  }
0xbd: {  	_ =	sfence.sel $0xFFFF  }
0xbe: {  	[dreg:$0x0] =	wrdreg $0xFFFFFFFF;
	(pc) =	sbr.abs _section_cstart, $3  }
0xbf: {  	[dreg:$0x1] =	wrdreg $0xFFFFFFFF  }
0xc0: {  	_ =	task.clear_ibuf [dreg:s6], $0x2FFFF;
	_ =	strace $0x9FFFFFFF  }
0xc1: {  	(tm) =	ssettm $0x7FFFFFFF  }
tec
execute0_lowered:
.L_overlay_start_1:
0x0: {  	(tag) =	ssettag $0x1  }
0x1: {  	s1 =	srdreg.scid;
	s0 =	stileid.u32  }
0x2: {  	s5 =	rddreg [dreg:$0x0];
	s2 =	simm.s32 $0x0;
	s15 =	simm.s32 $0x40  }
0x3: {  	s16 =	simm.s32 $0x2080;
	s17 =	simm.s32 $0x3080;
	s18 =	simm.s32 $0x4080  }
0x4: {  	s19 =	simm.s32 $0x5080;
	s20 =	simm.s32 $0x1;
	s21 =	simm.s32 $0x80  }
0x5: {  	s22 =	simm.s32 $0x2000;
	s24 =	simm.s32 $0x2;
	s25 =	simm.s32 $0x0  }
0x6: {  	s8 =	sand.u32 $0x1, s1;
	s29 =	sshll.u32 s0, $0x1;
	s31 =	smul.u32 $0x3100, s0  }
0x7: {  	v0 =	vlaneseq.u32;
	s1 =	rddreg [dreg:$0x1];
	s3 =	sor.u32 s8, s29;
	s13 =	smul.u32 $0x1880, s8  }
0x8: {  	[smem:$0x7FF] =	sst s2;
	v0 =	vmul.u32 $0x2, v0;
	s6 =	ssub.s32 $0x2, s8;
	s11 =	smul.u32 $0x1880, s3  }
0x9: {  	s4 =	sadd.s32 $0x1A00, s5;
	_ =	strace $0x80000047;
	s9 =	sshrl.u32 s6, $0x1  }
0xa: {  	v1 =	vor.u32 $0x20, v0;
	v4 =	vor.u32 $0x40, v0;
	v5 =	vor.u32 $0x60, v0;
	s12 =	ssub.s32 s6, s9;
	s9 =	sadd.s32 s13, s31;
	s3 =	sand.u32 $0x3FC00, s11  }
0xb: {  	v6 =	vor.u32 $0x1, v0;
	v10 =	vor.u32 $0x21, v0;
	v11 =	vor.u32 $0x41, v0;
	s30 =	sshrl.u32 s11, $0x1;
	s10 =	sadd.s32 $0x80, s11;
	s23 =	sadd.s32 $0x1800, s11  }
0xc: {  	v12 =	vor.u32 $0x61, v0;
	s13 =	sadd.s32 $0x180, s9;
	s12 =	smax.u32 s12, $0x1;
	s7 =	sshrl.u32 s3, $0x3;
	v2 =	vor.u32 s23, v0;
	v3 =	vor.u32 s23, v1  }
.Ltmp0:
0xd: {  	s14 =	sand.u32 $0x7FC00, s10;
	s10 =	sshrl.u32 s10, $0x1;
	v7 =	vor.u32 s23, v4;
	v8 =	vor.u32 s23, v5;
	v9 =	vor.u32 s23, v6;
	(pc) =	sbr.rel .LBB2_1-.Ltmp0, $4  }
0xe: {  	s13 =	sshrl.u32 s13, $0x1;
	v13 =	vor.u32 s23, v10;
	v14 =	vor.u32 s23, v11;
	v15 =	vor.u32 s23, v12;
	s23 =	simm.s32 $0x3;
	s7 =	sadd.s32 s7, s5  }
0xf: {  	s5 =	sadd.s32 $0x89E00, s5;
	s10 =	sand.u32 $0x1C0, s10;
	s14 =	ssub.s32 s14, s3  }
0x10: {  	s6 =	sadd.s32 $0x83A00, s7;
	s7 =	sand.u32 $0x1C0, s30;
	s10 =	sor.u32 s10, s14  }
0x11: {  	s14 =	simm.s32 $0x4;
	s8 =	sor.u32 $0x200, s7;
	s11 =	sor.u32 $0x200, s10  }
.LBB2_4:
0x12: {  	_ =	swait.ge [sflag:s20], $0x2000  }
0x13: {  	[sflag:s20] =	ssyncset.done $0x0  }
0x14: {  	[sflag:s20] =	ssyncadd.s32 $0xFFFFE000  }
0x15: {  	[tilespmem:$0x2000] =	vst v2  }
0x16: {  	[tilespmem:$0x2010] =	vst v3  }
0x17: {  	[tilespmem:$0x2020] =	vst v7  }
0x18: {  	[tilespmem:$0x2030] =	vst v8  }
0x19: {  	[tilespmem:$0x2040] =	vst v9  }
0x1a: {  	s25 =	sadd.s32 $0x1, s25;
	[tilespmem:$0x2050] =	vst v13  }
0x1b: {  	p0 =	sne.s32 s25, s12;
	[tilespmem:$0x2060] =	vst v14  }
.Ltmp1:
0x1c: {  	[tilespmem:$0x2070] =	vst v15;
	(pc) =	sbr.rel @!p0 .LBB2_5-.Ltmp1, $4  }
0x1d: {  	[hbm4b:s5+s21] =	stream.indirect.scatter [tilespmem:s16], [sflag:$0x3], $0x40, s22, s21, $0xb8;
	[tilespmem:$0x6080] =	vst v63  }
0x1e: {  	_ =	swait.ge [sflag:s23], $0x2000  }
0x1f: {  	[sflag:s23] =	ssyncset.done $0x0  }
0x20: {  	[sflag:s23] =	ssyncadd.s32 $0xFFFFE000  }
.LBB2_1:
0x21: {  	[tilespmem:s2], [sflag:$0x4] =	stream.linear.gather [hbm4b:s6+s2], $0x2000, $0x38;
	[tilespmem:$0x6080] =	vst v63  }
0x22: {  	_ =	swait.ge [sflag:s14], $0x2000  }
0x23: {  	[sflag:s14] =	ssyncset.done $0x0  }
0x24: {  	[sflag:s14] =	ssyncadd.s32 $0xFFFFE000  }
0x25: {  	[tilespmem:s16], [sflag:$0x1] =	stream.indirect.gather [hbm4b:s4+s15], $0x40, s7, s15, $0xb8;
	[tilespmem:$0x6080] =	vst v63  }
0x26: {  	_ = 	snop  }
0x27: {  	[tilespmem:s17], [sflag:$0x1] =	stream.indirect.gather [hbm4b:s4+s15], $0x40, s8, s15, $0xb8;
	[tilespmem:$0x6080] =	vst v63  }
0x28: {  	_ = 	snop  }
0x29: {  	[tilespmem:s18], [sflag:$0x2] =	stream.indirect.gather [hbm4b:s4+s15], $0x40, s10, s15, $0xb8;
	[tilespmem:$0x6080] =	vst v63  }
0x2a: {  	s26 =	simm.s32 $0x0;
	s28 =	smov.u32 s13  }
0x2b: {  	[tilespmem:s19], [sflag:$0x2] =	stream.indirect.gather [hbm4b:s4+s15], $0x40, s11, s15, $0xb8;
	[tilespmem:$0x6080] =	vst v63  }
.LBB2_2:
0x2c: {  	_ =	swait.ge [sflag:s20], $0x2000  }
0x2d: {  	s29 =	sadd.s32 s26, s9;
	[sflag:s20] =	ssyncset.done $0x0  }
0x2e: {  	v16 =	vor.u32 s29, v0;
	[sflag:s20] =	ssyncadd.s32 $0xFFFFE000  }
0x2f: {  	[tilespmem:$0x2000] =	vst v16;
	v16 =	vor.u32 s29, v1  }
0x30: {  	[tilespmem:$0x2010] =	vst v16;
	v16 =	vor.u32 s29, v4  }
0x31: {  	[tilespmem:$0x2020] =	vst v16;
	v16 =	vor.u32 s29, v5  }
0x32: {  	[tilespmem:$0x2030] =	vst v16;
	v16 =	vor.u32 s29, v6  }
0x33: {  	[tilespmem:$0x2040] =	vst v16;
	v16 =	vor.u32 s29, v10  }
0x34: {  	[tilespmem:$0x2050] =	vst v16;
	v16 =	vor.u32 s29, v11  }
0x35: {  	[tilespmem:$0x2060] =	vst v16;
	v16 =	vor.u32 s29, v12  }
0x36: {  	s30 =	sadd.s32 $0x100, s29;
	[tilespmem:$0x2070] =	vst v16  }
0x37: {  	[hbm4b:s5+s21] =	stream.indirect.scatter [tilespmem:s16], [sflag:$0x3], $0x40, s22, s21, $0xb8;
	[tilespmem:$0x6080] =	vst v63  }
0x38: {  	s31 =	sand.u32 $0x7FC00, s30;
	s30 =	sshrl.u32 s30, $0x1;
	_ =	swait.ge [sflag:s23], $0x2000  }
0x39: {  	s30 =	sand.u32 $0x1C0, s30;
	s31 =	ssub.s32 s31, s3;
	[sflag:s23] =	ssyncset.done $0x0  }
0x3a: {  	s30 =	sadd.s32 s30, s31;
	[sflag:s23] =	ssyncadd.s32 $0xFFFFE000  }
0x3b: {  	[tilespmem:s16], [sflag:$0x1] =	stream.indirect.gather [hbm4b:s4+s15], $0x40, s30, s15, $0xb8;
	[tilespmem:$0x6080] =	vst v63  }
0x3c: {  	s30 =	sadd.s32 $0x200, s30  }
0x3d: {  	[tilespmem:s17], [sflag:$0x1] =	stream.indirect.gather [hbm4b:s4+s15], $0x40, s30, s15, $0xb8;
	[tilespmem:$0x6080] =	vst v63  }
0x3e: {  	_ =	swait.ge [sflag:s24], $0x2000  }
0x3f: {  	s31 =	sadd.s32 $0x80, s29;
	[sflag:s24] =	ssyncset.done $0x0  }
0x40: {  	v16 =	vor.u32 s31, v0;
	[sflag:s24] =	ssyncadd.s32 $0xFFFFE000  }
0x41: {  	[tilespmem:$0x2000] =	vst v16;
	v16 =	vor.u32 s31, v1  }
0x42: {  	[tilespmem:$0x2010] =	vst v16;
	v16 =	vor.u32 s31, v4  }
0x43: {  	[tilespmem:$0x2020] =	vst v16;
	v16 =	vor.u32 s31, v5  }
0x44: {  	[tilespmem:$0x2030] =	vst v16;
	v16 =	vor.u32 s31, v6  }
0x45: {  	[tilespmem:$0x2040] =	vst v16;
	v16 =	vor.u32 s31, v10  }
0x46: {  	[tilespmem:$0x2050] =	vst v16;
	v16 =	vor.u32 s31, v11  }
0x47: {  	p0 =	seq.s32 s26, $0x1700;
	[tilespmem:$0x2060] =	vst v16;
	v16 =	vor.u32 s31, v12  }
.Ltmp2:
0x48: {  	[tilespmem:$0x2070] =	vst v16;
	(pc) =	sbr.rel @p0 .LBB2_4-.Ltmp2, $4  }
0x49: {  	[hbm4b:s5+s21] =	stream.indirect.scatter [tilespmem:s18], [sflag:$0x3], $0x40, s22, s21, $0xb8;
	[tilespmem:$0x6080] =	vst v63  }
0x4a: {  	_ =	swait.ge [sflag:s23], $0x2000  }
0x4b: {  	[sflag:s23] =	ssyncset.done $0x0  }
0x4c: {  	[sflag:s23] =	ssyncadd.s32 $0xFFFFE000  }
0x4d: {  	s29 =	sadd.s32 $0x180, s29  }
0x4e: {  	s29 =	sand.u32 $0x7FC00, s29  }
.Ltmp3:
0x4f: {  	s30 =	sand.u32 $0x1C0, s28;
	s29 =	ssub.s32 s29, s3;
	(pc) =	sbr.rel .LBB2_2-.Ltmp3, $4  }
0x50: {  	s29 =	sadd.s32 s30, s29  }
0x51: {  	[tilespmem:s18], [sflag:$0x2] =	stream.indirect.gather [hbm4b:s4+s15], $0x40, s29, s15, $0xb8;
	[tilespmem:$0x6080] =	vst v63  }
0x52: {  	s28 =	sadd.s32 $0x80, s28;
	s26 =	sadd.s32 $0x100, s26;
	s29 =	sadd.s32 $0x200, s29  }
0x53: {  	[tilespmem:s19], [sflag:$0x2] =	stream.indirect.gather [hbm4b:s4+s15], $0x40, s29, s15, $0xb8;
	[tilespmem:$0x6080] =	vst v63  }
.LBB2_5:
0x54: {  	_ =	sfence.sel $0x180000  }
0x55: {  	[bflag:$0x0] =	sbarrier.arrive $0xFFFF  }
0x56: {  	p0 =	sne.s32 s0, $0x0;
	_ =	strace $0x90000047  }
0x57: {  	s0 =	sadd.s32 @!p0 $0x100000, s1;
	[bflag:$0x2] =	sbarrier.arrive $0xFFFF  }
0x58: {  	[sflag:s0] =	ssyncadd.tile.s32 @!p0 $0x1;
	_ =	shalt  }
.Lfunc_end2:
_tile_overlayer_lowered:
.L_overlay_start_2:
0x59: {  	(tag) =	ssettag $0x2  }
0x5a: {  	s0 =	rddreg [dreg:$0x0];
	s2 =	stileid.u32  }
0x5b: {  	s1 =	rddreg [dreg:$0x1];
	p0 =	sne.s32 s2, $0x0  }
0x5c: {  	s3 =	rddreg [dreg:$0x2];
	[bflag:$0x3] =	sbarrier.arrive $0xFFFF;
	s2 =	simm.s32 @!p0 $0x1C04  }
0x5d: {  	[timem:s3], [sflag:s2] =	dma.local @!p0 [hbm:s0], s1  }
0x5e: {  	s0 =	simm.s32 @!p0 $0x4  }
0x5f: {  	_ =	swait.ge @!p0 [sflag:s0], s1  }
0x60: {  	s1 =	ssub.s32 @!p0 $0x0, s1;
	[sflag:s0] =	ssyncset.done @!p0 $0x0  }
0x61: {  	[sflag:s0] =	ssyncadd.s32 @!p0 s1  }
0x62: {  	[bflag:$0x3] =	sbarrier.arrive $0xFFFF  }
0x63: {  	_ =	shalt  }

</sc_bundles>
